<compile_context>
chip_gen: v7x
topology: tpu7x:2x2x1
jax: 0.10.2.dev20260603
libtpu: 0.0.44.dev20260713+nightly
codegen_flags: <defaults>
</compile_context>

<pallas_src>
import functools

import jax
import jax.numpy as jnp
from jax import lax
from jax.experimental import pallas as pl
from jax.experimental.pallas import tpu as pltpu
from jax.experimental.pallas import tpu_sc as plsc

N_NODES = 10000
N_EDGES = 320000
D = 128
N_GRAPHS = 1024
BATCH = 128
N_LEMMAS = 1000

NC = 2
NS = 16
NPAD = 10112
STRIPE = NPAD // NS
EPW = N_EDGES // (NC * NS)
CH = 128
NCHUNK = EPW // CH
TAIL = EPW - NCHUNK * CH
NPAD_G = 10240
GPW = NPAD_G // (NC * NS)
GCHUNKS = ((0, 128), (128, 128), (256, 64))


def _sc_edge_agg(x, src2, dst2, zrows, bg, gnnp):
    mesh = plsc.VectorSubcoreMesh(core_axis_name="c", subcore_axis_name="s")

    @functools.partial(
        pl.kernel,
        mesh=mesh,
        out_type=[
            jax.ShapeDtypeStruct((NC, NPAD, D), jnp.float32),
            jax.ShapeDtypeStruct((NC * NS, GPW), jnp.int32),
        ],
        scratch_types=[
            pltpu.VMEM((CH,), jnp.int32),
            pltpu.VMEM((CH,), jnp.int32),
            pltpu.VMEM((CH,), jnp.int32),
            pltpu.VMEM((CH,), jnp.int32),
            pltpu.VMEM((TAIL,), jnp.int32),
            pltpu.VMEM((TAIL,), jnp.int32),
            pltpu.VMEM((CH, D), jnp.float32),
            pltpu.VMEM((CH, D), jnp.float32),
            pltpu.VMEM((TAIL, D), jnp.float32),
            pltpu.VMEM((GPW,), jnp.int32),
            pltpu.VMEM((GPW,), jnp.int32),
            pltpu.VMEM_SHARED((NPAD, D), jnp.float32),
            pltpu.SemaphoreType.DMA,
            pltpu.SemaphoreType.DMA,
            pltpu.SemaphoreType.DMA,
            pltpu.SemaphoreType.DMA,
            pltpu.SemaphoreType.DMA,
        ],
    )
    def k(x_hbm, src_hbm, dst_hbm, z_hbm, bg_hbm, gnn_hbm, out_hbm, obj_hbm,
          srcv0, dstv0, srcv1, dstv1, srcvt, dstvt, rows0, rows1, rowst,
          gl, ol, acc, semg0, semg1, semi0, semi1, semo):
        cid = lax.axis_index("c")
        sid = lax.axis_index("s")
        wid = cid * NS + sid

        pltpu.sync_copy(gnn_hbm.at[wid], gl)
        for (o, n) in GCHUNKS:
            pltpu.async_copy(bg_hbm.at[gl.at[pl.ds(o, n)]],
                             ol.at[pl.ds(o, n)], semo)

        pltpu.sync_copy(z_hbm, acc.at[pl.ds(sid * STRIPE, STRIPE)])
        plsc.subcore_barrier()

        def idx_start(j, sv, dv, sem):
            pltpu.async_copy(src_hbm.at[wid, pl.ds(j * CH, CH)], sv, sem)
            pltpu.async_copy(dst_hbm.at[wid, pl.ds(j * CH, CH)], dv, sem)

        def idx_wait(j, sv, dv, sem):
            pltpu.make_async_copy(src_hbm.at[wid, pl.ds(j * CH, CH)], sv, sem).wait()
            pltpu.make_async_copy(dst_hbm.at[wid, pl.ds(j * CH, CH)], dv, sem).wait()

        idx_start(0, srcv0, dstv0, semi0)
        idx_start(1, srcv1, dstv1, semi1)
        idx_wait(0, srcv0, dstv0, semi0)
        pltpu.async_copy(x_hbm.at[srcv0], rows0, semg0)
        idx_wait(1, srcv1, dstv1, semi1)

        def body(it, carry):
            j0 = it * 2
            pltpu.async_copy(x_hbm.at[srcv1], rows1, semg1)
            pltpu.make_async_copy(x_hbm.at[srcv0], rows0, semg0).wait()
            pltpu.sync_copy(rows0, acc.at[dstv0], add=True)

            @pl.when(j0 + 2 < NCHUNK)
            def _():
                idx_start(j0 + 2, srcv0, dstv0, semi0)
                idx_wait(j0 + 2, srcv0, dstv0, semi0)
                pltpu.async_copy(x_hbm.at[srcv0], rows0, semg0)

            pltpu.make_async_copy(x_hbm.at[srcv1], rows1, semg1).wait()
            pltpu.sync_copy(rows1, acc.at[dstv1], add=True)

            @pl.when(j0 + 3 < NCHUNK)
            def _():
                idx_start(j0 + 3, srcv1, dstv1, semi1)
                idx_wait(j0 + 3, srcv1, dstv1, semi1)

            return carry

        lax.fori_loop(0, NCHUNK // 2, body, 0)

        tb = NCHUNK * CH
        pltpu.sync_copy(src_hbm.at[wid, pl.ds(tb, TAIL)], srcvt)
        pltpu.sync_copy(dst_hbm.at[wid, pl.ds(tb, TAIL)], dstvt)
        pltpu.async_copy(x_hbm.at[srcvt], rowst, semg0).wait()
        pltpu.sync_copy(rowst, acc.at[dstvt], add=True)

        for (o, n) in GCHUNKS:
            pltpu.make_async_copy(bg_hbm.at[gl.at[pl.ds(o, n)]],
                                  ol.at[pl.ds(o, n)], semo).wait()
        pltpu.sync_copy(ol, obj_hbm.at[wid])

        plsc.subcore_barrier()
        pltpu.sync_copy(acc.at[pl.ds(sid * STRIPE, STRIPE)],
                        out_hbm.at[cid, pl.ds(sid * STRIPE, STRIPE)])

    return k(x, src2, dst2, zrows, bg, gnnp)


NBLK = 10
BLK = N_NODES // NBLK


def _tc_body(pref, xref, oref, wmsg, wself,
             wv1, bv1, wv2, bv2, wq1, bq1, wq2, bq2, wl1, wl2, bl,
             vf_ref, log_ref, oacc):
    i = pl.program_id(0)

    @pl.when(i == 0)
    def _():
        oacc[...] = jnp.zeros_like(oacc)

    xa = pref[0] + pref[1]
    state = jnp.maximum(
        jnp.dot(xa, wmsg[...], preferred_element_type=jnp.float32)
        + jnp.dot(xref[...], wself[...], preferred_element_type=jnp.float32),
        0.0)
    g = oref[0]
    oh = (g == lax.broadcasted_iota(jnp.int32, (BATCH, BLK), 0)
          ).astype(jnp.float32)
    oacc[...] += jnp.dot(oh, state, preferred_element_type=jnp.float32)

    @pl.when(i == NBLK - 1)
    def _():
        obj = oacc[...]
        v = jnp.maximum(
            jnp.dot(obj, wv1[...], preferred_element_type=jnp.float32)
            + bv1[...], 0.0)
        vf_ref[...] = jax.nn.sigmoid(
            jnp.dot(v, wv2[...], preferred_element_type=jnp.float32)
            + bv2[...])
        h = jnp.dot(
            jnp.maximum(
                jnp.dot(obj, wq1[...], preferred_element_type=jnp.float32)
                + bq1[...], 0.0),
            wq2[...], preferred_element_type=jnp.float32) + bq2[...]
        q1 = jnp.maximum(obj + h[:, :D], 0.0)
        q2 = jnp.maximum(h[:, D:], 0.0)
        log_ref[...] = (
            jnp.dot(q1, wl1[...], preferred_element_type=jnp.float32)
            + jnp.dot(q2, wl2[...], preferred_element_type=jnp.float32)
            + bl[...])


def kernel(x, edge_index, gnn_ind, batch_gnn_ind, W_msg, W_self,
           Wq1, bq1, Wq2, bq2, Wl, bl, Wv1, bv1, Wv2, bv2):
    src = edge_index[0].astype(jnp.int32)
    dst = edge_index[1].astype(jnp.int32)
    src2 = src.reshape(NC * NS, EPW)
    dst2 = dst.reshape(NC * NS, EPW)
    zrows = jnp.zeros((STRIPE, D), jnp.float32)
    gi = gnn_ind.astype(jnp.int32)
    gnnp = jnp.concatenate(
        [gi, jnp.zeros((NPAD_G - N_NODES,), jnp.int32)]).reshape(NC * NS, GPW)
    bg = batch_gnn_ind.astype(jnp.int32)

    p, obj_ind = _sc_edge_agg(x, src2, dst2, zrows, bg, gnnp)

    obj3 = obj_ind.reshape(-1)[:N_NODES].reshape(NBLK, 1, BLK)

    full = lambda s: pl.BlockSpec(s, lambda i: tuple(0 for _ in s))
    vf, logits = pl.pallas_call(
        _tc_body,
        grid=(NBLK,),
        in_specs=[
            pl.BlockSpec((NC, BLK, D), lambda i: (0, i, 0)),
            pl.BlockSpec((BLK, D), lambda i: (i, 0)),
            pl.BlockSpec((1, 1, BLK), lambda i: (i, 0, 0)),
            full((D, D)), full((D, D)),
            full((D, D)), full((1, D)), full((D, 1)), full((1, 1)),
            full((D, 2 * D)), full((1, 2 * D)),
            full((2 * D, 2 * D)), full((1, 2 * D)),
            full((D, N_LEMMAS)), full((D, N_LEMMAS)), full((1, N_LEMMAS)),
        ],
        out_specs=[
            pl.BlockSpec((BATCH, 1), lambda i: (0, 0)),
            pl.BlockSpec((BATCH, N_LEMMAS), lambda i: (0, 0)),
        ],
        out_shape=[
            jax.ShapeDtypeStruct((BATCH, 1), jnp.float32),
            jax.ShapeDtypeStruct((BATCH, N_LEMMAS), jnp.float32),
        ],
        scratch_shapes=[pltpu.VMEM((BATCH, D), jnp.float32)],
    )(p, x, obj3, W_msg, W_self,
      Wv1[:D], bv1.reshape(1, D), Wv2, bv2.reshape(1, 1),
      Wq1[:D], bq1.reshape(1, 2 * D), Wq2, bq2.reshape(1, 2 * D),
      Wl[:D], Wl[D:], bl.reshape(1, N_LEMMAS))

    return jnp.concatenate([vf, logits], axis=1)

# --- scband reference (transcript-rebuilt; emitter-appended) ---
"""Pipeline reference for scband-thm-net-19181323943963 (READ-ONLY COPY).

The authoritative reference and input builder live on the scoring server;
editing this copy changes nothing except your own understanding.
"""

import jax, jax.numpy as jnp
import numpy as np

N_NODES = 10000
N_EDGES = 320000
D = 128
N_GRAPHS = 1024
BATCH = 128
N_LEMMAS = 1000


def setup_inputs(seed: int = 0) -> dict:
    key = jax.random.key(seed)
    ks = jax.random.split(key, 20)
    s = 1.0 / np.sqrt(D)
    s2 = 1.0 / np.sqrt(2 * D)
    inp = {
        'x': jax.random.normal(ks[0], (N_NODES, D), dtype=jnp.float32),
        'edge_index': jax.random.randint(ks[1], (2, N_EDGES), 0, N_NODES),
        'gnn_ind': jnp.sort(jax.random.randint(ks[2], (N_NODES,), 0, N_GRAPHS)),
        'batch_gnn_ind': jnp.sort(jax.random.randint(ks[3], (N_GRAPHS,), 0, BATCH)),
        # GCN message-passing layer weights (graph_encoder)
        'W_msg': jax.random.normal(ks[4], (D, D), dtype=jnp.float32) * s,
        'W_self': jax.random.normal(ks[5], (D, D), dtype=jnp.float32) * s,
        # lemma_q: FCResBlock(2*hidden_dim)
        'Wq1': jax.random.normal(ks[6], (2 * D, 2 * D), dtype=jnp.float32) * s2,
        'bq1': jnp.zeros((2 * D,), dtype=jnp.float32),
        'Wq2': jax.random.normal(ks[7], (2 * D, 2 * D), dtype=jnp.float32) * s2,
        'bq2': jnp.zeros((2 * D,), dtype=jnp.float32),
        # lemma_out: Linear(2*hidden_dim, num_lemmas)
        'Wl': jax.random.normal(ks[8], (2 * D, N_LEMMAS), dtype=jnp.float32) * s2,
        'bl': jnp.zeros((N_LEMMAS,), dtype=jnp.float32),
        # vf_net: Linear(2h, h) -> ReLU -> Linear(h, 1) -> Sigmoid
        'Wv1': jax.random.normal(ks[9], (2 * D, D), dtype=jnp.float32) * s2,
        'bv1': jnp.zeros((D,), dtype=jnp.float32),
        'Wv2': jax.random.normal(ks[10], (D, 1), dtype=jnp.float32) * s,
        'bv2': jnp.zeros((1,), dtype=jnp.float32),
    }
    return inp


def reference(x, edge_index, gnn_ind, batch_gnn_ind, W_msg, W_self,
              Wq1, bq1, Wq2, bq2, Wl, bl, Wv1, bv1, Wv2, bv2):
    src = edge_index[0]
    dst = edge_index[1]
    # GroundTruthEncoder / GraphEncoder (GCN layer): gather -> transform -> scatter-add
    msg = jnp.take(x, src, axis=0) @ W_msg
    agg = jax.ops.segment_sum(msg, dst, num_segments=N_NODES)
    state_tensor = jax.nn.relu(agg + x @ W_self)
    # scatter_add over gnn_ind (node -> graph pooling)
    graph_out = jax.ops.segment_sum(state_tensor, gnn_ind, num_segments=N_GRAPHS)
    # scatter_add over batch_gnn_ind (graph -> batch-element pooling)
    obj_out = jax.ops.segment_sum(graph_out, batch_gnn_ind, num_segments=BATCH)
    # gt_gnns empty branch: gt_out = zeros_like(obj_out)
    gt_out = jnp.zeros_like(obj_out)
    out = jnp.concatenate([obj_out, gt_out], axis=1)  # [BATCH, 2D]
    # vf = vf_net(out)
    v = jax.nn.relu(out @ Wv1 + bv1)
    vf = jax.nn.sigmoid(v @ Wv2 + bv2)
    # lemma_outputs = lemma_out(relu(lemma_q(out))), lemma_q is FCResBlock
    h = jax.nn.relu(out @ Wq1 + bq1) @ Wq2 + bq2
    q = out + h
    lemma_logits = jax.nn.relu(q) @ Wl + bl
    return jnp.concatenate([vf, lemma_logits], axis=1)  # [BATCH, 1 + N_LEMMAS]

if __name__ == "__main__":
    import jax
    _d = setup_inputs()
    print(jax.jit(kernel)(*tuple(_d.values())))

</pallas_src>

<mosaic_0001>
#map = affine_map<(d0, d1) -> (0, 0)>
#map1 = affine_map<(d0, d1) -> (0)>
#map2 = affine_map<(d0, d1) -> (0, 0, 0)>
module attributes {stable_mosaic.version = 14 : i64} {
  func.func @k(%arg0: i32, %arg1: i32, %arg2: memref<10000x128xf32, #tpu.memory_space<hbm>>, %arg3: memref<32x10000xi32, #tpu.memory_space<hbm>>, %arg4: memref<32x10000xi32, #tpu.memory_space<hbm>>, %arg5: memref<632x128xf32, #tpu.memory_space<hbm>>, %arg6: memref<1024xi32, #tpu.memory_space<hbm>>, %arg7: memref<32x320xi32, #tpu.memory_space<hbm>>, %arg8: memref<2x10112x128xf32, #tpu.memory_space<hbm>>, %arg9: memref<32x320xi32, #tpu.memory_space<hbm>>, %arg10: memref<128xi32, #tpu.memory_space<vmem>>, %arg11: memref<128xi32, #tpu.memory_space<vmem>>, %arg12: memref<128xi32, #tpu.memory_space<vmem>>, %arg13: memref<128xi32, #tpu.memory_space<vmem>>, %arg14: memref<16xi32, #tpu.memory_space<vmem>>, %arg15: memref<16xi32, #tpu.memory_space<vmem>>, %arg16: memref<128x128xf32, #tpu.memory_space<vmem>>, %arg17: memref<128x128xf32, #tpu.memory_space<vmem>>, %arg18: memref<16x128xf32, #tpu.memory_space<vmem>>, %arg19: memref<320xi32, #tpu.memory_space<vmem>>, %arg20: memref<320xi32, #tpu.memory_space<vmem>>, %arg21: memref<10112x128xf32, #tpu.memory_space<vmem_shared>>, %arg22: memref<!tpu.dma_semaphore, #tpu.memory_space<semaphore_mem>>, %arg23: memref<!tpu.dma_semaphore, #tpu.memory_space<semaphore_mem>>, %arg24: memref<!tpu.dma_semaphore, #tpu.memory_space<semaphore_mem>>, %arg25: memref<!tpu.dma_semaphore, #tpu.memory_space<semaphore_mem>>, %arg26: memref<!tpu.dma_semaphore, #tpu.memory_space<semaphore_mem>>) attributes {dimension_semantics = [#tpu.dimension_semantics<core_parallel>, #tpu.dimension_semantics<subcore_parallel>], iteration_bounds = array<i64: 2, 16>, scalar_prefetch = 0 : i64, scratch_operands = 17 : i64, tpu.core_type = #tpu.core_type<sc_vector_subcore>, window_params = [{transform_indices = #map}, {transform_indices = #map}, {transform_indices = #map}, {transform_indices = #map}, {transform_indices = #map1}, {transform_indices = #map}, {transform_indices = #map2}, {transform_indices = #map}]} {
    %mul3A = arith.constant 16 : i32
    %mul3A_0 = arith.muli %arg0, %mul3A : i32
    %add3A = arith.addi %mul3A_0, %arg1 : i32
    "tpu.region"() ({
      %run_scoped3A = tpu.sem_alloc : memref<!tpu.dma_semaphore, #tpu.memory_space<semaphore_mem>>
      %dma_start3A_104 = arith.constant 0 : i32
      %dma_start3A_105 = tpu.memref_slice %arg7[%add3A, %dma_start3A_104] : memref<32x320xi32, #tpu.memory_space<hbm>> -> memref<1x320xi32, #tpu.memory_space<hbm>>
      %dma_start3A_106 = tpu.memref_squeeze %dma_start3A_105 : memref<1x320xi32, #tpu.memory_space<hbm>> -> memref<320xi32, #tpu.memory_space<hbm>>
      %dma_start3A_107 = arith.constant 0 : i32
      %dma_start3A_108 = tpu.memref_slice %arg7[%add3A, %dma_start3A_107] : memref<32x320xi32, #tpu.memory_space<hbm>> -> memref<1x320xi32, #tpu.memory_space<hbm>>
      %dma_start3A_109 = tpu.memref_squeeze %dma_start3A_108 : memref<1x320xi32, #tpu.memory_space<hbm>> -> memref<320xi32, #tpu.memory_space<hbm>>
      tpu.enqueue_dma source(%dma_start3A_109 : memref<320xi32, #tpu.memory_space<hbm>>) target(%arg19 : memref<320xi32, #tpu.memory_space<vmem>>) target_semaphore(%run_scoped3A : memref<!tpu.dma_semaphore, #tpu.memory_space<semaphore_mem>>)
      %dma_wait3A_110 = arith.constant 0 : i32
      %dma_wait3A_111 = tpu.memref_slice %arg7[%add3A, %dma_wait3A_110] : memref<32x320xi32, #tpu.memory_space<hbm>> -> memref<1x320xi32, #tpu.memory_space<hbm>>
      %dma_wait3A_112 = tpu.memref_squeeze %dma_wait3A_111 : memref<1x320xi32, #tpu.memory_space<hbm>> -> memref<320xi32, #tpu.memory_space<hbm>>
      %dma_wait3A_113 = arith.constant 0 : i32
      %dma_wait3A_114 = tpu.memref_slice %arg7[%add3A, %dma_wait3A_113] : memref<32x320xi32, #tpu.memory_space<hbm>> -> memref<1x320xi32, #tpu.memory_space<hbm>>
      %dma_wait3A_115 = tpu.memref_squeeze %dma_wait3A_114 : memref<1x320xi32, #tpu.memory_space<hbm>> -> memref<320xi32, #tpu.memory_space<hbm>>
      tpu.wait_dma2 semaphore(%run_scoped3A : memref<!tpu.dma_semaphore, #tpu.memory_space<semaphore_mem>>) src(%dma_wait3A_115 : memref<320xi32, #tpu.memory_space<hbm>>) dst(%arg19 : memref<320xi32, #tpu.memory_space<vmem>>)
      tpu.yield
    }) : () -> ()
    %dma_start3A = arith.constant 0 : i32
    %dma_start3A_1 = tpu.memref_slice %arg20[%dma_start3A] : memref<320xi32, #tpu.memory_space<vmem>> -> memref<128xi32, #tpu.memory_space<vmem>>
    %dma_start3A_2 = arith.constant 0 : i32
    %dma_start3A_3 = tpu.memref_slice %arg19[%dma_start3A_2] : memref<320xi32, #tpu.memory_space<vmem>> -> memref<128xi32, #tpu.memory_space<vmem>>
    %dma_start3A_4 = arith.constant 0 : i32
    %dma_start3A_5 = tpu.memref_slice %arg6[%dma_start3A_4] : memref<1024xi32, #tpu.memory_space<hbm>> -> memref<1024xi32, #tpu.memory_space<hbm>>
    tpu.enqueue_indirect_dma source(%dma_start3A_5 : memref<1024xi32, #tpu.memory_space<hbm>>) target(%dma_start3A_1 : memref<128xi32, #tpu.memory_space<vmem>>) offsets(%dma_start3A_3 : memref<128xi32, #tpu.memory_space<vmem>>) semaphore(%arg26 : memref<!tpu.dma_semaphore, #tpu.memory_space<semaphore_mem>>)
    %dma_start3A_6 = arith.constant 128 : i32
    %dma_start3A_7 = tpu.memref_slice %arg20[%dma_start3A_6] : memref<320xi32, #tpu.memory_space<vmem>> -> memref<128xi32, #tpu.memory_space<vmem>>
    %dma_start3A_8 = arith.constant 128 : i32
    %dma_start3A_9 = tpu.memref_slice %arg19[%dma_start3A_8] : memref<320xi32, #tpu.memory_space<vmem>> -> memref<128xi32, #tpu.memory_space<vmem>>
    %dma_start3A_10 = arith.constant 0 : i32
    %dma_start3A_11 = tpu.memref_slice %arg6[%dma_start3A_10] : memref<1024xi32, #tpu.memory_space<hbm>> -> memref<1024xi32, #tpu.memory_space<hbm>>
    tpu.enqueue_indirect_dma source(%dma_start3A_11 : memref<1024xi32, #tpu.memory_space<hbm>>) target(%dma_start3A_7 : memref<128xi32, #tpu.memory_space<vmem>>) offsets(%dma_start3A_9 : memref<128xi32, #tpu.memory_space<vmem>>) semaphore(%arg26 : memref<!tpu.dma_semaphore, #tpu.memory_space<semaphore_mem>>)
    %dma_start3A_12 = arith.constant 256 : i32
    %dma_start3A_13 = tpu.memref_slice %arg20[%dma_start3A_12] : memref<320xi32, #tpu.memory_space<vmem>> -> memref<64xi32, #tpu.memory_space<vmem>>
    %dma_start3A_14 = arith.constant 256 : i32
    %dma_start3A_15 = tpu.memref_slice %arg19[%dma_start3A_14] : memref<320xi32, #tpu.memory_space<vmem>> -> memref<64xi32, #tpu.memory_space<vmem>>
    %dma_start3A_16 = arith.constant 0 : i32
    %dma_start3A_17 = tpu.memref_slice %arg6[%dma_start3A_16] : memref<1024xi32, #tpu.memory_space<hbm>> -> memref<1024xi32, #tpu.memory_space<hbm>>
    tpu.enqueue_indirect_dma source(%dma_start3A_17 : memref<1024xi32, #tpu.memory_space<hbm>>) target(%dma_start3A_13 : memref<64xi32, #tpu.memory_space<vmem>>) offsets(%dma_start3A_15 : memref<64xi32, #tpu.memory_space<vmem>>) semaphore(%arg26 : memref<!tpu.dma_semaphore, #tpu.memory_space<semaphore_mem>>)
    %mul3A_18 = arith.constant 632 : i32
    %mul3A_19 = arith.muli %arg1, %mul3A_18 : i32
    "tpu.region"() ({
      %run_scoped3A = tpu.sem_alloc : memref<!tpu.dma_semaphore, #tpu.memory_space<semaphore_mem>>
      %dma_start3A_104 = arith.constant 0 : i32
      %dma_start3A_105 = tpu.memref_slice %arg21[%mul3A_19, %dma_start3A_104] : memref<10112x128xf32, #tpu.memory_space<vmem_shared>> -> memref<632x128xf32, #tpu.memory_space<vmem_shared>>
      tpu.enqueue_dma source(%arg5 : memref<632x128xf32, #tpu.memory_space<hbm>>) target(%dma_start3A_105 : memref<632x128xf32, #tpu.memory_space<vmem_shared>>) target_semaphore(%run_scoped3A : memref<!tpu.dma_semaphore, #tpu.memory_space<semaphore_mem>>)
      %dma_wait3A_106 = arith.constant 0 : i32
      %dma_wait3A_107 = tpu.memref_slice %arg21[%mul3A_19, %dma_wait3A_106] : memref<10112x128xf32, #tpu.memory_space<vmem_shared>> -> memref<632x128xf32, #tpu.memory_space<vmem_shared>>
      tpu.wait_dma2 semaphore(%run_scoped3A : memref<!tpu.dma_semaphore, #tpu.memory_space<semaphore_mem>>) src(%arg5 : memref<632x128xf32, #tpu.memory_space<hbm>>) dst(%dma_wait3A_107 : memref<632x128xf32, #tpu.memory_space<vmem_shared>>)
      tpu.yield
    }) : () -> ()
    %barrier3A = arith.constant 0 : index
    tpu.barrier barrier_id(%barrier3A)
    %dma_start3A_20 = arith.constant 0 : i32
    %dma_start3A_21 = tpu.memref_slice %arg3[%add3A, %dma_start3A_20] : memref<32x10000xi32, #tpu.memory_space<hbm>> -> memref<1x128xi32, #tpu.memory_space<hbm>>
    %dma_start3A_22 = tpu.memref_squeeze %dma_start3A_21 : memref<1x128xi32, #tpu.memory_space<hbm>> -> memref<128xi32, #tpu.memory_space<hbm>>
    %dma_start3A_23 = arith.constant 0 : i32
    %dma_start3A_24 = tpu.memref_slice %arg3[%add3A, %dma_start3A_23] : memref<32x10000xi32, #tpu.memory_space<hbm>> -> memref<1x128xi32, #tpu.memory_space<hbm>>
    %dma_start3A_25 = tpu.memref_squeeze %dma_start3A_24 : memref<1x128xi32, #tpu.memory_space<hbm>> -> memref<128xi32, #tpu.memory_space<hbm>>
    tpu.enqueue_dma source(%dma_start3A_25 : memref<128xi32, #tpu.memory_space<hbm>>) target(%arg10 : memref<128xi32, #tpu.memory_space<vmem>>) target_semaphore(%arg24 : memref<!tpu.dma_semaphore, #tpu.memory_space<semaphore_mem>>)
    %dma_start3A_26 = arith.constant 0 : i32
    %dma_start3A_27 = tpu.memref_slice %arg4[%add3A, %dma_start3A_26] : memref<32x10000xi32, #tpu.memory_space<hbm>> -> memref<1x128xi32, #tpu.memory_space<hbm>>
    %dma_start3A_28 = tpu.memref_squeeze %dma_start3A_27 : memref<1x128xi32, #tpu.memory_space<hbm>> -> memref<128xi32, #tpu.memory_space<hbm>>
    %dma_start3A_29 = arith.constant 0 : i32
    %dma_start3A_30 = tpu.memref_slice %arg4[%add3A, %dma_start3A_29] : memref<32x10000xi32, #tpu.memory_space<hbm>> -> memref<1x128xi32, #tpu.memory_space<hbm>>
    %dma_start3A_31 = tpu.memref_squeeze %dma_start3A_30 : memref<1x128xi32, #tpu.memory_space<hbm>> -> memref<128xi32, #tpu.memory_space<hbm>>
    tpu.enqueue_dma source(%dma_start3A_31 : memref<128xi32, #tpu.memory_space<hbm>>) target(%arg11 : memref<128xi32, #tpu.memory_space<vmem>>) target_semaphore(%arg24 : memref<!tpu.dma_semaphore, #tpu.memory_space<semaphore_mem>>)
    %dma_start3A_32 = arith.constant 128 : i32
    %dma_start3A_33 = tpu.memref_slice %arg3[%add3A, %dma_start3A_32] : memref<32x10000xi32, #tpu.memory_space<hbm>> -> memref<1x128xi32, #tpu.memory_space<hbm>>
    %dma_start3A_34 = tpu.memref_squeeze %dma_start3A_33 : memref<1x128xi32, #tpu.memory_space<hbm>> -> memref<128xi32, #tpu.memory_space<hbm>>
    %dma_start3A_35 = arith.constant 128 : i32
    %dma_start3A_36 = tpu.memref_slice %arg3[%add3A, %dma_start3A_35] : memref<32x10000xi32, #tpu.memory_space<hbm>> -> memref<1x128xi32, #tpu.memory_space<hbm>>
    %dma_start3A_37 = tpu.memref_squeeze %dma_start3A_36 : memref<1x128xi32, #tpu.memory_space<hbm>> -> memref<128xi32, #tpu.memory_space<hbm>>
    tpu.enqueue_dma source(%dma_start3A_37 : memref<128xi32, #tpu.memory_space<hbm>>) target(%arg12 : memref<128xi32, #tpu.memory_space<vmem>>) target_semaphore(%arg25 : memref<!tpu.dma_semaphore, #tpu.memory_space<semaphore_mem>>)
    %dma_start3A_38 = arith.constant 128 : i32
    %dma_start3A_39 = tpu.memref_slice %arg4[%add3A, %dma_start3A_38] : memref<32x10000xi32, #tpu.memory_space<hbm>> -> memref<1x128xi32, #tpu.memory_space<hbm>>
    %dma_start3A_40 = tpu.memref_squeeze %dma_start3A_39 : memref<1x128xi32, #tpu.memory_space<hbm>> -> memref<128xi32, #tpu.memory_space<hbm>>
    %dma_start3A_41 = arith.constant 128 : i32
    %dma_start3A_42 = tpu.memref_slice %arg4[%add3A, %dma_start3A_41] : memref<32x10000xi32, #tpu.memory_space<hbm>> -> memref<1x128xi32, #tpu.memory_space<hbm>>
    %dma_start3A_43 = tpu.memref_squeeze %dma_start3A_42 : memref<1x128xi32, #tpu.memory_space<hbm>> -> memref<128xi32, #tpu.memory_space<hbm>>
    tpu.enqueue_dma source(%dma_start3A_43 : memref<128xi32, #tpu.memory_space<hbm>>) target(%arg13 : memref<128xi32, #tpu.memory_space<vmem>>) target_semaphore(%arg25 : memref<!tpu.dma_semaphore, #tpu.memory_space<semaphore_mem>>)
    %dma_wait3A = arith.constant 0 : i32
    %dma_wait3A_44 = tpu.memref_slice %arg3[%add3A, %dma_wait3A] : memref<32x10000xi32, #tpu.memory_space<hbm>> -> memref<1x128xi32, #tpu.memory_space<hbm>>
    %dma_wait3A_45 = tpu.memref_squeeze %dma_wait3A_44 : memref<1x128xi32, #tpu.memory_space<hbm>> -> memref<128xi32, #tpu.memory_space<hbm>>
    %dma_wait3A_46 = arith.constant 0 : i32
    %dma_wait3A_47 = tpu.memref_slice %arg3[%add3A, %dma_wait3A_46] : memref<32x10000xi32, #tpu.memory_space<hbm>> -> memref<1x128xi32, #tpu.memory_space<hbm>>
    %dma_wait3A_48 = tpu.memref_squeeze %dma_wait3A_47 : memref<1x128xi32, #tpu.memory_space<hbm>> -> memref<128xi32, #tpu.memory_space<hbm>>
    tpu.wait_dma2 semaphore(%arg24 : memref<!tpu.dma_semaphore, #tpu.memory_space<semaphore_mem>>) src(%dma_wait3A_48 : memref<128xi32, #tpu.memory_space<hbm>>) dst(%arg10 : memref<128xi32, #tpu.memory_space<vmem>>)
    %dma_wait3A_49 = arith.constant 0 : i32
    %dma_wait3A_50 = tpu.memref_slice %arg4[%add3A, %dma_wait3A_49] : memref<32x10000xi32, #tpu.memory_space<hbm>> -> memref<1x128xi32, #tpu.memory_space<hbm>>
    %dma_wait3A_51 = tpu.memref_squeeze %dma_wait3A_50 : memref<1x128xi32, #tpu.memory_space<hbm>> -> memref<128xi32, #tpu.memory_space<hbm>>
    %dma_wait3A_52 = arith.constant 0 : i32
    %dma_wait3A_53 = tpu.memref_slice %arg4[%add3A, %dma_wait3A_52] : memref<32x10000xi32, #tpu.memory_space<hbm>> -> memref<1x128xi32, #tpu.memory_space<hbm>>
    %dma_wait3A_54 = tpu.memref_squeeze %dma_wait3A_53 : memref<1x128xi32, #tpu.memory_space<hbm>> -> memref<128xi32, #tpu.memory_space<hbm>>
    tpu.wait_dma2 semaphore(%arg24 : memref<!tpu.dma_semaphore, #tpu.memory_space<semaphore_mem>>) src(%dma_wait3A_54 : memref<128xi32, #tpu.memory_space<hbm>>) dst(%arg11 : memref<128xi32, #tpu.memory_space<vmem>>)
    %dma_start3A_55 = arith.constant 0 : i32
    %dma_start3A_56 = arith.constant 0 : i32
    %dma_start3A_57 = tpu.memref_slice %arg2[%dma_start3A_55, %dma_start3A_56] : memref<10000x128xf32, #tpu.memory_space<hbm>> -> memref<10000x128xf32, #tpu.memory_space<hbm>>
    tpu.enqueue_indirect_dma source(%dma_start3A_57 : memref<10000x128xf32, #tpu.memory_space<hbm>>) target(%arg16 : memref<128x128xf32, #tpu.memory_space<vmem>>) offsets(%arg10 : memref<128xi32, #tpu.memory_space<vmem>>) semaphore(%arg22 : memref<!tpu.dma_semaphore, #tpu.memory_space<semaphore_mem>>)
    %dma_wait3A_58 = arith.constant 128 : i32
    %dma_wait3A_59 = tpu.memref_slice %arg3[%add3A, %dma_wait3A_58] : memref<32x10000xi32, #tpu.memory_space<hbm>> -> memref<1x128xi32, #tpu.memory_space<hbm>>
    %dma_wait3A_60 = tpu.memref_squeeze %dma_wait3A_59 : memref<1x128xi32, #tpu.memory_space<hbm>> -> memref<128xi32, #tpu.memory_space<hbm>>
    %dma_wait3A_61 = arith.constant 128 : i32
    %dma_wait3A_62 = tpu.memref_slice %arg3[%add3A, %dma_wait3A_61] : memref<32x10000xi32, #tpu.memory_space<hbm>> -> memref<1x128xi32, #tpu.memory_space<hbm>>
    %dma_wait3A_63 = tpu.memref_squeeze %dma_wait3A_62 : memref<1x128xi32, #tpu.memory_space<hbm>> -> memref<128xi32, #tpu.memory_space<hbm>>
    tpu.wait_dma2 semaphore(%arg25 : memref<!tpu.dma_semaphore, #tpu.memory_space<semaphore_mem>>) src(%dma_wait3A_63 : memref<128xi32, #tpu.memory_space<hbm>>) dst(%arg12 : memref<128xi32, #tpu.memory_space<vmem>>)
    %dma_wait3A_64 = arith.constant 128 : i32
    %dma_wait3A_65 = tpu.memref_slice %arg4[%add3A, %dma_wait3A_64] : memref<32x10000xi32, #tpu.memory_space<hbm>> -> memref<1x128xi32, #tpu.memory_space<hbm>>
    %dma_wait3A_66 = tpu.memref_squeeze %dma_wait3A_65 : memref<1x128xi32, #tpu.memory_space<hbm>> -> memref<128xi32, #tpu.memory_space<hbm>>
    %dma_wait3A_67 = arith.constant 128 : i32
    %dma_wait3A_68 = tpu.memref_slice %arg4[%add3A, %dma_wait3A_67] : memref<32x10000xi32, #tpu.memory_space<hbm>> -> memref<1x128xi32, #tpu.memory_space<hbm>>
    %dma_wait3A_69 = tpu.memref_squeeze %dma_wait3A_68 : memref<1x128xi32, #tpu.memory_space<hbm>> -> memref<128xi32, #tpu.memory_space<hbm>>
    tpu.wait_dma2 semaphore(%arg25 : memref<!tpu.dma_semaphore, #tpu.memory_space<semaphore_mem>>) src(%dma_wait3A_69 : memref<128xi32, #tpu.memory_space<hbm>>) dst(%arg13 : memref<128xi32, #tpu.memory_space<vmem>>)
    %scan3A = arith.constant 0 : i32
    %scan3A_70 = arith.constant 0 : i32
    %scan3A_71 = arith.constant 39 : i32
    %scan3A_72 = arith.addi %scan3A_70, %scan3A_71 : i32
    %scan3A_73 = arith.constant 1 : i32
    scf.for %scan3A_104 = %scan3A_70 to %scan3A_72 step %scan3A_73  : i32 {
      %mul3A_105 = arith.constant 2 : i32
      %mul3A_106 = arith.muli %scan3A_104, %mul3A_105 : i32
      %dma_start3A_107 = arith.constant 0 : i32
      %dma_start3A_108 = arith.constant 0 : i32
      %dma_start3A_109 = tpu.memref_slice %arg2[%dma_start3A_107, %dma_start3A_108] : memref<10000x128xf32, #tpu.memory_space<hbm>> -> memref<10000x128xf32, #tpu.memory_space<hbm>>
      tpu.enqueue_indirect_dma source(%dma_start3A_109 : memref<10000x128xf32, #tpu.memory_space<hbm>>) target(%arg17 : memref<128x128xf32, #tpu.memory_space<vmem>>) offsets(%arg12 : memref<128xi32, #tpu.memory_space<vmem>>) semaphore(%arg23 : memref<!tpu.dma_semaphore, #tpu.memory_space<semaphore_mem>>)
      %dma_wait3A_110 = arith.constant 0 : i32
      %dma_wait3A_111 = arith.constant 0 : i32
      %dma_wait3A_112 = tpu.memref_slice %arg2[%dma_wait3A_110, %dma_wait3A_111] : memref<10000x128xf32, #tpu.memory_space<hbm>> -> memref<10000x128xf32, #tpu.memory_space<hbm>>
      tpu.wait_indirect_dma semaphore(%arg22 : memref<!tpu.dma_semaphore, #tpu.memory_space<semaphore_mem>>) src(%dma_wait3A_112 : memref<10000x128xf32, #tpu.memory_space<hbm>>) dst(%arg16 : memref<128x128xf32, #tpu.memory_space<vmem>>)
      "tpu.region"() ({
        %run_scoped3A = tpu.sem_alloc : memref<!tpu.dma_semaphore, #tpu.memory_space<semaphore_mem>>
        %dma_start3A_127 = arith.constant 0 : i32
        %dma_start3A_128 = arith.constant 0 : i32
        %dma_start3A_129 = tpu.memref_slice %arg21[%dma_start3A_127, %dma_start3A_128] : memref<10112x128xf32, #tpu.memory_space<vmem_shared>> -> memref<10112x128xf32, #tpu.memory_space<vmem_shared>>
        tpu.enqueue_indirect_dma source(%arg16 : memref<128x128xf32, #tpu.memory_space<vmem>>) target(%dma_start3A_129 : memref<10112x128xf32, #tpu.memory_space<vmem_shared>>) offsets(%arg11 : memref<128xi32, #tpu.memory_space<vmem>>) semaphore(%run_scoped3A : memref<!tpu.dma_semaphore, #tpu.memory_space<semaphore_mem>>) {add = true}
        %dma_wait3A_130 = arith.constant 0 : i32
        %dma_wait3A_131 = arith.constant 0 : i32
        %dma_wait3A_132 = tpu.memref_slice %arg21[%dma_wait3A_130, %dma_wait3A_131] : memref<10112x128xf32, #tpu.memory_space<vmem_shared>> -> memref<10112x128xf32, #tpu.memory_space<vmem_shared>>
        tpu.wait_indirect_dma semaphore(%run_scoped3A : memref<!tpu.dma_semaphore, #tpu.memory_space<semaphore_mem>>) src(%arg16 : memref<128x128xf32, #tpu.memory_space<vmem>>) dst(%dma_wait3A_132 : memref<10112x128xf32, #tpu.memory_space<vmem_shared>>)
        tpu.yield
      }) : () -> ()
      %add3A_113 = arith.constant 2 : i32
      %add3A_114 = arith.addi %mul3A_106, %add3A_113 : i32
      %lt3A = arith.constant 78 : i32
      %lt3A_115 = arith.cmpi slt, %add3A_114, %lt3A : i32
      %convert_element_type3A = arith.extui %lt3A_115 : i1 to i32
      %cond3A = arith.constant 0 : i32
      %cond3A_116 = arith.cmpi ne, %convert_element_type3A, %cond3A : i32
      scf.if %cond3A_116 {
        %add3A_127 = arith.constant 2 : i32
        %add3A_128 = arith.addi %mul3A_106, %add3A_127 : i32
        %mul3A_129 = arith.constant 128 : i32
        %mul3A_130 = arith.muli %add3A_128, %mul3A_129 : i32
        %dma_start3A_131 = tpu.memref_slice %arg3[%add3A, %mul3A_130] : memref<32x10000xi32, #tpu.memory_space<hbm>> -> memref<1x128xi32, #tpu.memory_space<hbm>>
        %dma_start3A_132 = tpu.memref_squeeze %dma_start3A_131 : memref<1x128xi32, #tpu.memory_space<hbm>> -> memref<128xi32, #tpu.memory_space<hbm>>
        %dma_start3A_133 = tpu.memref_slice %arg3[%add3A, %mul3A_130] : memref<32x10000xi32, #tpu.memory_space<hbm>> -> memref<1x128xi32, #tpu.memory_space<hbm>>
        %dma_start3A_134 = tpu.memref_squeeze %dma_start3A_133 : memref<1x128xi32, #tpu.memory_space<hbm>> -> memref<128xi32, #tpu.memory_space<hbm>>
        tpu.enqueue_dma source(%dma_start3A_134 : memref<128xi32, #tpu.memory_space<hbm>>) target(%arg10 : memref<128xi32, #tpu.memory_space<vmem>>) target_semaphore(%arg24 : memref<!tpu.dma_semaphore, #tpu.memory_space<semaphore_mem>>)
        %mul3A_135 = arith.constant 128 : i32
        %mul3A_136 = arith.muli %add3A_128, %mul3A_135 : i32
        %dma_start3A_137 = tpu.memref_slice %arg4[%add3A, %mul3A_136] : memref<32x10000xi32, #tpu.memory_space<hbm>> -> memref<1x128xi32, #tpu.memory_space<hbm>>
        %dma_start3A_138 = tpu.memref_squeeze %dma_start3A_137 : memref<1x128xi32, #tpu.memory_space<hbm>> -> memref<128xi32, #tpu.memory_space<hbm>>
        %dma_start3A_139 = tpu.memref_slice %arg4[%add3A, %mul3A_136] : memref<32x10000xi32, #tpu.memory_space<hbm>> -> memref<1x128xi32, #tpu.memory_space<hbm>>
        %dma_start3A_140 = tpu.memref_squeeze %dma_start3A_139 : memref<1x128xi32, #tpu.memory_space<hbm>> -> memref<128xi32, #tpu.memory_space<hbm>>
        tpu.enqueue_dma source(%dma_start3A_140 : memref<128xi32, #tpu.memory_space<hbm>>) target(%arg11 : memref<128xi32, #tpu.memory_space<vmem>>) target_semaphore(%arg24 : memref<!tpu.dma_semaphore, #tpu.memory_space<semaphore_mem>>)
        %add3A_141 = arith.constant 2 : i32
        %add3A_142 = arith.addi %mul3A_106, %add3A_141 : i32
        %mul3A_143 = arith.constant 128 : i32
        %mul3A_144 = arith.muli %add3A_142, %mul3A_143 : i32
        %dma_wait3A_145 = tpu.memref_slice %arg3[%add3A, %mul3A_144] : memref<32x10000xi32, #tpu.memory_space<hbm>> -> memref<1x128xi32, #tpu.memory_space<hbm>>
        %dma_wait3A_146 = tpu.memref_squeeze %dma_wait3A_145 : memref<1x128xi32, #tpu.memory_space<hbm>> -> memref<128xi32, #tpu.memory_space<hbm>>
        %dma_wait3A_147 = tpu.memref_slice %arg3[%add3A, %mul3A_144] : memref<32x10000xi32, #tpu.memory_space<hbm>> -> memref<1x128xi32, #tpu.memory_space<hbm>>
        %dma_wait3A_148 = tpu.memref_squeeze %dma_wait3A_147 : memref<1x128xi32, #tpu.memory_space<hbm>> -> memref<128xi32, #tpu.memory_space<hbm>>
        tpu.wait_dma2 semaphore(%arg24 : memref<!tpu.dma_semaphore, #tpu.memory_space<semaphore_mem>>) src(%dma_wait3A_148 : memref<128xi32, #tpu.memory_space<hbm>>) dst(%arg10 : memref<128xi32, #tpu.memory_space<vmem>>)
        %mul3A_149 = arith.constant 128 : i32
        %mul3A_150 = arith.muli %add3A_142, %mul3A_149 : i32
        %dma_wait3A_151 = tpu.memref_slice %arg4[%add3A, %mul3A_150] : memref<32x10000xi32, #tpu.memory_space<hbm>> -> memref<1x128xi32, #tpu.memory_space<hbm>>
        %dma_wait3A_152 = tpu.memref_squeeze %dma_wait3A_151 : memref<1x128xi32, #tpu.memory_space<hbm>> -> memref<128xi32, #tpu.memory_space<hbm>>
        %dma_wait3A_153 = tpu.memref_slice %arg4[%add3A, %mul3A_150] : memref<32x10000xi32, #tpu.memory_space<hbm>> -> memref<1x128xi32, #tpu.memory_space<hbm>>
        %dma_wait3A_154 = tpu.memref_squeeze %dma_wait3A_153 : memref<1x128xi32, #tpu.memory_space<hbm>> -> memref<128xi32, #tpu.memory_space<hbm>>
        tpu.wait_dma2 semaphore(%arg24 : memref<!tpu.dma_semaphore, #tpu.memory_space<semaphore_mem>>) src(%dma_wait3A_154 : memref<128xi32, #tpu.memory_space<hbm>>) dst(%arg11 : memref<128xi32, #tpu.memory_space<vmem>>)
        %dma_start3A_155 = arith.constant 0 : i32
        %dma_start3A_156 = arith.constant 0 : i32
        %dma_start3A_157 = tpu.memref_slice %arg2[%dma_start3A_155, %dma_start3A_156] : memref<10000x128xf32, #tpu.memory_space<hbm>> -> memref<10000x128xf32, #tpu.memory_space<hbm>>
        tpu.enqueue_indirect_dma source(%dma_start3A_157 : memref<10000x128xf32, #tpu.memory_space<hbm>>) target(%arg16 : memref<128x128xf32, #tpu.memory_space<vmem>>) offsets(%arg10 : memref<128xi32, #tpu.memory_space<vmem>>) semaphore(%arg22 : memref<!tpu.dma_semaphore, #tpu.memory_space<semaphore_mem>>)
      } else {
      }
      %dma_wait3A_117 = arith.constant 0 : i32
      %dma_wait3A_118 = arith.constant 0 : i32
      %dma_wait3A_119 = tpu.memref_slice %arg2[%dma_wait3A_117, %dma_wait3A_118] : memref<10000x128xf32, #tpu.memory_space<hbm>> -> memref<10000x128xf32, #tpu.memory_space<hbm>>
      tpu.wait_indirect_dma semaphore(%arg23 : memref<!tpu.dma_semaphore, #tpu.memory_space<semaphore_mem>>) src(%dma_wait3A_119 : memref<10000x128xf32, #tpu.memory_space<hbm>>) dst(%arg17 : memref<128x128xf32, #tpu.memory_space<vmem>>)
      "tpu.region"() ({
        %run_scoped3A = tpu.sem_alloc : memref<!tpu.dma_semaphore, #tpu.memory_space<semaphore_mem>>
        %dma_start3A_127 = arith.constant 0 : i32
        %dma_start3A_128 = arith.constant 0 : i32
        %dma_start3A_129 = tpu.memref_slice %arg21[%dma_start3A_127, %dma_start3A_128] : memref<10112x128xf32, #tpu.memory_space<vmem_shared>> -> memref<10112x128xf32, #tpu.memory_space<vmem_shared>>
        tpu.enqueue_indirect_dma source(%arg17 : memref<128x128xf32, #tpu.memory_space<vmem>>) target(%dma_start3A_129 : memref<10112x128xf32, #tpu.memory_space<vmem_shared>>) offsets(%arg13 : memref<128xi32, #tpu.memory_space<vmem>>) semaphore(%run_scoped3A : memref<!tpu.dma_semaphore, #tpu.memory_space<semaphore_mem>>) {add = true}
        %dma_wait3A_130 = arith.constant 0 : i32
        %dma_wait3A_131 = arith.constant 0 : i32
        %dma_wait3A_132 = tpu.memref_slice %arg21[%dma_wait3A_130, %dma_wait3A_131] : memref<10112x128xf32, #tpu.memory_space<vmem_shared>> -> memref<10112x128xf32, #tpu.memory_space<vmem_shared>>
        tpu.wait_indirect_dma semaphore(%run_scoped3A : memref<!tpu.dma_semaphore, #tpu.memory_space<semaphore_mem>>) src(%arg17 : memref<128x128xf32, #tpu.memory_space<vmem>>) dst(%dma_wait3A_132 : memref<10112x128xf32, #tpu.memory_space<vmem_shared>>)
        tpu.yield
      }) : () -> ()
      %add3A_120 = arith.constant 3 : i32
      %add3A_121 = arith.addi %mul3A_106, %add3A_120 : i32
      %lt3A_122 = arith.constant 78 : i32
      %lt3A_123 = arith.cmpi slt, %add3A_121, %lt3A_122 : i32
      %convert_element_type3A_124 = arith.extui %lt3A_123 : i1 to i32
      %cond3A_125 = arith.constant 0 : i32
      %cond3A_126 = arith.cmpi ne, %convert_element_type3A_124, %cond3A_125 : i32
      scf.if %cond3A_126 {
        %add3A_127 = arith.constant 3 : i32
        %add3A_128 = arith.addi %mul3A_106, %add3A_127 : i32
        %mul3A_129 = arith.constant 128 : i32
        %mul3A_130 = arith.muli %add3A_128, %mul3A_129 : i32
        %dma_start3A_131 = tpu.memref_slice %arg3[%add3A, %mul3A_130] : memref<32x10000xi32, #tpu.memory_space<hbm>> -> memref<1x128xi32, #tpu.memory_space<hbm>>
        %dma_start3A_132 = tpu.memref_squeeze %dma_start3A_131 : memref<1x128xi32, #tpu.memory_space<hbm>> -> memref<128xi32, #tpu.memory_space<hbm>>
        %dma_start3A_133 = tpu.memref_slice %arg3[%add3A, %mul3A_130] : memref<32x10000xi32, #tpu.memory_space<hbm>> -> memref<1x128xi32, #tpu.memory_space<hbm>>
        %dma_start3A_134 = tpu.memref_squeeze %dma_start3A_133 : memref<1x128xi32, #tpu.memory_space<hbm>> -> memref<128xi32, #tpu.memory_space<hbm>>
        tpu.enqueue_dma source(%dma_start3A_134 : memref<128xi32, #tpu.memory_space<hbm>>) target(%arg12 : memref<128xi32, #tpu.memory_space<vmem>>) target_semaphore(%arg25 : memref<!tpu.dma_semaphore, #tpu.memory_space<semaphore_mem>>)
        %mul3A_135 = arith.constant 128 : i32
        %mul3A_136 = arith.muli %add3A_128, %mul3A_135 : i32
        %dma_start3A_137 = tpu.memref_slice %arg4[%add3A, %mul3A_136] : memref<32x10000xi32, #tpu.memory_space<hbm>> -> memref<1x128xi32, #tpu.memory_space<hbm>>
        %dma_start3A_138 = tpu.memref_squeeze %dma_start3A_137 : memref<1x128xi32, #tpu.memory_space<hbm>> -> memref<128xi32, #tpu.memory_space<hbm>>
        %dma_start3A_139 = tpu.memref_slice %arg4[%add3A, %mul3A_136] : memref<32x10000xi32, #tpu.memory_space<hbm>> -> memref<1x128xi32, #tpu.memory_space<hbm>>
        %dma_start3A_140 = tpu.memref_squeeze %dma_start3A_139 : memref<1x128xi32, #tpu.memory_space<hbm>> -> memref<128xi32, #tpu.memory_space<hbm>>
        tpu.enqueue_dma source(%dma_start3A_140 : memref<128xi32, #tpu.memory_space<hbm>>) target(%arg13 : memref<128xi32, #tpu.memory_space<vmem>>) target_semaphore(%arg25 : memref<!tpu.dma_semaphore, #tpu.memory_space<semaphore_mem>>)
        %add3A_141 = arith.constant 3 : i32
        %add3A_142 = arith.addi %mul3A_106, %add3A_141 : i32
        %mul3A_143 = arith.constant 128 : i32
        %mul3A_144 = arith.muli %add3A_142, %mul3A_143 : i32
        %dma_wait3A_145 = tpu.memref_slice %arg3[%add3A, %mul3A_144] : memref<32x10000xi32, #tpu.memory_space<hbm>> -> memref<1x128xi32, #tpu.memory_space<hbm>>
        %dma_wait3A_146 = tpu.memref_squeeze %dma_wait3A_145 : memref<1x128xi32, #tpu.memory_space<hbm>> -> memref<128xi32, #tpu.memory_space<hbm>>
        %dma_wait3A_147 = tpu.memref_slice %arg3[%add3A, %mul3A_144] : memref<32x10000xi32, #tpu.memory_space<hbm>> -> memref<1x128xi32, #tpu.memory_space<hbm>>
        %dma_wait3A_148 = tpu.memref_squeeze %dma_wait3A_147 : memref<1x128xi32, #tpu.memory_space<hbm>> -> memref<128xi32, #tpu.memory_space<hbm>>
        tpu.wait_dma2 semaphore(%arg25 : memref<!tpu.dma_semaphore, #tpu.memory_space<semaphore_mem>>) src(%dma_wait3A_148 : memref<128xi32, #tpu.memory_space<hbm>>) dst(%arg12 : memref<128xi32, #tpu.memory_space<vmem>>)
        %mul3A_149 = arith.constant 128 : i32
        %mul3A_150 = arith.muli %add3A_142, %mul3A_149 : i32
        %dma_wait3A_151 = tpu.memref_slice %arg4[%add3A, %mul3A_150] : memref<32x10000xi32, #tpu.memory_space<hbm>> -> memref<1x128xi32, #tpu.memory_space<hbm>>
        %dma_wait3A_152 = tpu.memref_squeeze %dma_wait3A_151 : memref<1x128xi32, #tpu.memory_space<hbm>> -> memref<128xi32, #tpu.memory_space<hbm>>
        %dma_wait3A_153 = tpu.memref_slice %arg4[%add3A, %mul3A_150] : memref<32x10000xi32, #tpu.memory_space<hbm>> -> memref<1x128xi32, #tpu.memory_space<hbm>>
        %dma_wait3A_154 = tpu.memref_squeeze %dma_wait3A_153 : memref<1x128xi32, #tpu.memory_space<hbm>> -> memref<128xi32, #tpu.memory_space<hbm>>
        tpu.wait_dma2 semaphore(%arg25 : memref<!tpu.dma_semaphore, #tpu.memory_space<semaphore_mem>>) src(%dma_wait3A_154 : memref<128xi32, #tpu.memory_space<hbm>>) dst(%arg13 : memref<128xi32, #tpu.memory_space<vmem>>)
      } else {
      }
    }
    %scan3A_74 = arith.constant 39 : i32
    "tpu.region"() ({
      %run_scoped3A = tpu.sem_alloc : memref<!tpu.dma_semaphore, #tpu.memory_space<semaphore_mem>>
      %dma_start3A_104 = arith.constant 9984 : i32
      %dma_start3A_105 = tpu.memref_slice %arg3[%add3A, %dma_start3A_104] : memref<32x10000xi32, #tpu.memory_space<hbm>> -> memref<1x16xi32, #tpu.memory_space<hbm>>
      %dma_start3A_106 = tpu.memref_squeeze %dma_start3A_105 : memref<1x16xi32, #tpu.memory_space<hbm>> -> memref<16xi32, #tpu.memory_space<hbm>>
      %dma_start3A_107 = arith.constant 9984 : i32
      %dma_start3A_108 = tpu.memref_slice %arg3[%add3A, %dma_start3A_107] : memref<32x10000xi32, #tpu.memory_space<hbm>> -> memref<1x16xi32, #tpu.memory_space<hbm>>
      %dma_start3A_109 = tpu.memref_squeeze %dma_start3A_108 : memref<1x16xi32, #tpu.memory_space<hbm>> -> memref<16xi32, #tpu.memory_space<hbm>>
      tpu.enqueue_dma source(%dma_start3A_109 : memref<16xi32, #tpu.memory_space<hbm>>) target(%arg14 : memref<16xi32, #tpu.memory_space<vmem>>) target_semaphore(%run_scoped3A : memref<!tpu.dma_semaphore, #tpu.memory_space<semaphore_mem>>)
      %dma_wait3A_110 = arith.constant 9984 : i32
      %dma_wait3A_111 = tpu.memref_slice %arg3[%add3A, %dma_wait3A_110] : memref<32x10000xi32, #tpu.memory_space<hbm>> -> memref<1x16xi32, #tpu.memory_space<hbm>>
      %dma_wait3A_112 = tpu.memref_squeeze %dma_wait3A_111 : memref<1x16xi32, #tpu.memory_space<hbm>> -> memref<16xi32, #tpu.memory_space<hbm>>
      %dma_wait3A_113 = arith.constant 9984 : i32
      %dma_wait3A_114 = tpu.memref_slice %arg3[%add3A, %dma_wait3A_113] : memref<32x10000xi32, #tpu.memory_space<hbm>> -> memref<1x16xi32, #tpu.memory_space<hbm>>
      %dma_wait3A_115 = tpu.memref_squeeze %dma_wait3A_114 : memref<1x16xi32, #tpu.memory_space<hbm>> -> memref<16xi32, #tpu.memory_space<hbm>>
      tpu.wait_dma2 semaphore(%run_scoped3A : memref<!tpu.dma_semaphore, #tpu.memory_space<semaphore_mem>>) src(%dma_wait3A_115 : memref<16xi32, #tpu.memory_space<hbm>>) dst(%arg14 : memref<16xi32, #tpu.memory_space<vmem>>)
      tpu.yield
    }) : () -> ()
    "tpu.region"() ({
      %run_scoped3A = tpu.sem_alloc : memref<!tpu.dma_semaphore, #tpu.memory_space<semaphore_mem>>
      %dma_start3A_104 = arith.constant 9984 : i32
      %dma_start3A_105 = tpu.memref_slice %arg4[%add3A, %dma_start3A_104] : memref<32x10000xi32, #tpu.memory_space<hbm>> -> memref<1x16xi32, #tpu.memory_space<hbm>>
      %dma_start3A_106 = tpu.memref_squeeze %dma_start3A_105 : memref<1x16xi32, #tpu.memory_space<hbm>> -> memref<16xi32, #tpu.memory_space<hbm>>
      %dma_start3A_107 = arith.constant 9984 : i32
      %dma_start3A_108 = tpu.memref_slice %arg4[%add3A, %dma_start3A_107] : memref<32x10000xi32, #tpu.memory_space<hbm>> -> memref<1x16xi32, #tpu.memory_space<hbm>>
      %dma_start3A_109 = tpu.memref_squeeze %dma_start3A_108 : memref<1x16xi32, #tpu.memory_space<hbm>> -> memref<16xi32, #tpu.memory_space<hbm>>
      tpu.enqueue_dma source(%dma_start3A_109 : memref<16xi32, #tpu.memory_space<hbm>>) target(%arg15 : memref<16xi32, #tpu.memory_space<vmem>>) target_semaphore(%run_scoped3A : memref<!tpu.dma_semaphore, #tpu.memory_space<semaphore_mem>>)
      %dma_wait3A_110 = arith.constant 9984 : i32
      %dma_wait3A_111 = tpu.memref_slice %arg4[%add3A, %dma_wait3A_110] : memref<32x10000xi32, #tpu.memory_space<hbm>> -> memref<1x16xi32, #tpu.memory_space<hbm>>
      %dma_wait3A_112 = tpu.memref_squeeze %dma_wait3A_111 : memref<1x16xi32, #tpu.memory_space<hbm>> -> memref<16xi32, #tpu.memory_space<hbm>>
      %dma_wait3A_113 = arith.constant 9984 : i32
      %dma_wait3A_114 = tpu.memref_slice %arg4[%add3A, %dma_wait3A_113] : memref<32x10000xi32, #tpu.memory_space<hbm>> -> memref<1x16xi32, #tpu.memory_space<hbm>>
      %dma_wait3A_115 = tpu.memref_squeeze %dma_wait3A_114 : memref<1x16xi32, #tpu.memory_space<hbm>> -> memref<16xi32, #tpu.memory_space<hbm>>
      tpu.wait_dma2 semaphore(%run_scoped3A : memref<!tpu.dma_semaphore, #tpu.memory_space<semaphore_mem>>) src(%dma_wait3A_115 : memref<16xi32, #tpu.memory_space<hbm>>) dst(%arg15 : memref<16xi32, #tpu.memory_space<vmem>>)
      tpu.yield
    }) : () -> ()
    %dma_start3A_75 = arith.constant 0 : i32
    %dma_start3A_76 = arith.constant 0 : i32
    %dma_start3A_77 = tpu.memref_slice %arg2[%dma_start3A_75, %dma_start3A_76] : memref<10000x128xf32, #tpu.memory_space<hbm>> -> memref<10000x128xf32, #tpu.memory_space<hbm>>
    tpu.enqueue_indirect_dma source(%dma_start3A_77 : memref<10000x128xf32, #tpu.memory_space<hbm>>) target(%arg18 : memref<16x128xf32, #tpu.memory_space<vmem>>) offsets(%arg14 : memref<16xi32, #tpu.memory_space<vmem>>) semaphore(%arg22 : memref<!tpu.dma_semaphore, #tpu.memory_space<semaphore_mem>>)
    %dma_wait3A_78 = arith.constant 0 : i32
    %dma_wait3A_79 = arith.constant 0 : i32
    %dma_wait3A_80 = tpu.memref_slice %arg2[%dma_wait3A_78, %dma_wait3A_79] : memref<10000x128xf32, #tpu.memory_space<hbm>> -> memref<10000x128xf32, #tpu.memory_space<hbm>>
    tpu.wait_indirect_dma semaphore(%arg22 : memref<!tpu.dma_semaphore, #tpu.memory_space<semaphore_mem>>) src(%dma_wait3A_80 : memref<10000x128xf32, #tpu.memory_space<hbm>>) dst(%arg18 : memref<16x128xf32, #tpu.memory_space<vmem>>)
    "tpu.region"() ({
      %run_scoped3A = tpu.sem_alloc : memref<!tpu.dma_semaphore, #tpu.memory_space<semaphore_mem>>
      %dma_start3A_104 = arith.constant 0 : i32
      %dma_start3A_105 = arith.constant 0 : i32
      %dma_start3A_106 = tpu.memref_slice %arg21[%dma_start3A_104, %dma_start3A_105] : memref<10112x128xf32, #tpu.memory_space<vmem_shared>> -> memref<10112x128xf32, #tpu.memory_space<vmem_shared>>
      tpu.enqueue_indirect_dma source(%arg18 : memref<16x128xf32, #tpu.memory_space<vmem>>) target(%dma_start3A_106 : memref<10112x128xf32, #tpu.memory_space<vmem_shared>>) offsets(%arg15 : memref<16xi32, #tpu.memory_space<vmem>>) semaphore(%run_scoped3A : memref<!tpu.dma_semaphore, #tpu.memory_space<semaphore_mem>>) {add = true}
      %dma_wait3A_107 = arith.constant 0 : i32
      %dma_wait3A_108 = arith.constant 0 : i32
      %dma_wait3A_109 = tpu.memref_slice %arg21[%dma_wait3A_107, %dma_wait3A_108] : memref<10112x128xf32, #tpu.memory_space<vmem_shared>> -> memref<10112x128xf32, #tpu.memory_space<vmem_shared>>
      tpu.wait_indirect_dma semaphore(%run_scoped3A : memref<!tpu.dma_semaphore, #tpu.memory_space<semaphore_mem>>) src(%arg18 : memref<16x128xf32, #tpu.memory_space<vmem>>) dst(%dma_wait3A_109 : memref<10112x128xf32, #tpu.memory_space<vmem_shared>>)
      tpu.yield
    }) : () -> ()
    %dma_wait3A_81 = arith.constant 0 : i32
    %dma_wait3A_82 = tpu.memref_slice %arg20[%dma_wait3A_81] : memref<320xi32, #tpu.memory_space<vmem>> -> memref<128xi32, #tpu.memory_space<vmem>>
    %dma_wait3A_83 = arith.constant 0 : i32
    %dma_wait3A_84 = tpu.memref_slice %arg19[%dma_wait3A_83] : memref<320xi32, #tpu.memory_space<vmem>> -> memref<128xi32, #tpu.memory_space<vmem>>
    %dma_wait3A_85 = arith.constant 0 : i32
    %dma_wait3A_86 = tpu.memref_slice %arg6[%dma_wait3A_85] : memref<1024xi32, #tpu.memory_space<hbm>> -> memref<1024xi32, #tpu.memory_space<hbm>>
    tpu.wait_indirect_dma semaphore(%arg26 : memref<!tpu.dma_semaphore, #tpu.memory_space<semaphore_mem>>) src(%dma_wait3A_86 : memref<1024xi32, #tpu.memory_space<hbm>>) dst(%dma_wait3A_82 : memref<128xi32, #tpu.memory_space<vmem>>)
    %dma_wait3A_87 = arith.constant 128 : i32
    %dma_wait3A_88 = tpu.memref_slice %arg20[%dma_wait3A_87] : memref<320xi32, #tpu.memory_space<vmem>> -> memref<128xi32, #tpu.memory_space<vmem>>
    %dma_wait3A_89 = arith.constant 128 : i32
    %dma_wait3A_90 = tpu.memref_slice %arg19[%dma_wait3A_89] : memref<320xi32, #tpu.memory_space<vmem>> -> memref<128xi32, #tpu.memory_space<vmem>>
    %dma_wait3A_91 = arith.constant 0 : i32
    %dma_wait3A_92 = tpu.memref_slice %arg6[%dma_wait3A_91] : memref<1024xi32, #tpu.memory_space<hbm>> -> memref<1024xi32, #tpu.memory_space<hbm>>
    tpu.wait_indirect_dma semaphore(%arg26 : memref<!tpu.dma_semaphore, #tpu.memory_space<semaphore_mem>>) src(%dma_wait3A_92 : memref<1024xi32, #tpu.memory_space<hbm>>) dst(%dma_wait3A_88 : memref<128xi32, #tpu.memory_space<vmem>>)
    %dma_wait3A_93 = arith.constant 256 : i32
    %dma_wait3A_94 = tpu.memref_slice %arg20[%dma_wait3A_93] : memref<320xi32, #tpu.memory_space<vmem>> -> memref<64xi32, #tpu.memory_space<vmem>>
    %dma_wait3A_95 = arith.constant 256 : i32
    %dma_wait3A_96 = tpu.memref_slice %arg19[%dma_wait3A_95] : memref<320xi32, #tpu.memory_space<vmem>> -> memref<64xi32, #tpu.memory_space<vmem>>
    %dma_wait3A_97 = arith.constant 0 : i32
    %dma_wait3A_98 = tpu.memref_slice %arg6[%dma_wait3A_97] : memref<1024xi32, #tpu.memory_space<hbm>> -> memref<1024xi32, #tpu.memory_space<hbm>>
    tpu.wait_indirect_dma semaphore(%arg26 : memref<!tpu.dma_semaphore, #tpu.memory_space<semaphore_mem>>) src(%dma_wait3A_98 : memref<1024xi32, #tpu.memory_space<hbm>>) dst(%dma_wait3A_94 : memref<64xi32, #tpu.memory_space<vmem>>)
    "tpu.region"() ({
      %run_scoped3A = tpu.sem_alloc : memref<!tpu.dma_semaphore, #tpu.memory_space<semaphore_mem>>
      %dma_start3A_104 = arith.constant 0 : i32
      %dma_start3A_105 = tpu.memref_slice %arg9[%add3A, %dma_start3A_104] : memref<32x320xi32, #tpu.memory_space<hbm>> -> memref<1x320xi32, #tpu.memory_space<hbm>>
      %dma_start3A_106 = tpu.memref_squeeze %dma_start3A_105 : memref<1x320xi32, #tpu.memory_space<hbm>> -> memref<320xi32, #tpu.memory_space<hbm>>
      %dma_start3A_107 = arith.constant 0 : i32
      %dma_start3A_108 = tpu.memref_slice %arg9[%add3A, %dma_start3A_107] : memref<32x320xi32, #tpu.memory_space<hbm>> -> memref<1x320xi32, #tpu.memory_space<hbm>>
      %dma_start3A_109 = tpu.memref_squeeze %dma_start3A_108 : memref<1x320xi32, #tpu.memory_space<hbm>> -> memref<320xi32, #tpu.memory_space<hbm>>
      tpu.enqueue_dma source(%arg20 : memref<320xi32, #tpu.memory_space<vmem>>) target(%dma_start3A_109 : memref<320xi32, #tpu.memory_space<hbm>>) target_semaphore(%run_scoped3A : memref<!tpu.dma_semaphore, #tpu.memory_space<semaphore_mem>>)
      %dma_wait3A_110 = arith.constant 0 : i32
      %dma_wait3A_111 = tpu.memref_slice %arg9[%add3A, %dma_wait3A_110] : memref<32x320xi32, #tpu.memory_space<hbm>> -> memref<1x320xi32, #tpu.memory_space<hbm>>
      %dma_wait3A_112 = tpu.memref_squeeze %dma_wait3A_111 : memref<1x320xi32, #tpu.memory_space<hbm>> -> memref<320xi32, #tpu.memory_space<hbm>>
      %dma_wait3A_113 = arith.constant 0 : i32
      %dma_wait3A_114 = tpu.memref_slice %arg9[%add3A, %dma_wait3A_113] : memref<32x320xi32, #tpu.memory_space<hbm>> -> memref<1x320xi32, #tpu.memory_space<hbm>>
      %dma_wait3A_115 = tpu.memref_squeeze %dma_wait3A_114 : memref<1x320xi32, #tpu.memory_space<hbm>> -> memref<320xi32, #tpu.memory_space<hbm>>
      tpu.wait_dma2 semaphore(%run_scoped3A : memref<!tpu.dma_semaphore, #tpu.memory_space<semaphore_mem>>) src(%arg20 : memref<320xi32, #tpu.memory_space<vmem>>) dst(%dma_wait3A_115 : memref<320xi32, #tpu.memory_space<hbm>>)
      tpu.yield
    }) : () -> ()
    %barrier3A_99 = arith.constant 0 : index
    tpu.barrier barrier_id(%barrier3A_99)
    %mul3A_100 = arith.constant 632 : i32
    %mul3A_101 = arith.muli %arg1, %mul3A_100 : i32
    %mul3A_102 = arith.constant 632 : i32
    %mul3A_103 = arith.muli %arg1, %mul3A_102 : i32
    "tpu.region"() ({
      %run_scoped3A = tpu.sem_alloc : memref<!tpu.dma_semaphore, #tpu.memory_space<semaphore_mem>>
      %dma_start3A_104 = arith.constant 0 : i32
      %dma_start3A_105 = tpu.memref_slice %arg8[%arg0, %mul3A_103, %dma_start3A_104] : memref<2x10112x128xf32, #tpu.memory_space<hbm>> -> memref<1x632x128xf32, #tpu.memory_space<hbm>>
      %dma_start3A_106 = tpu.memref_squeeze %dma_start3A_105 : memref<1x632x128xf32, #tpu.memory_space<hbm>> -> memref<632x128xf32, #tpu.memory_space<hbm>>
      %dma_start3A_107 = arith.constant 0 : i32
      %dma_start3A_108 = tpu.memref_slice %arg21[%mul3A_101, %dma_start3A_107] : memref<10112x128xf32, #tpu.memory_space<vmem_shared>> -> memref<632x128xf32, #tpu.memory_space<vmem_shared>>
      tpu.enqueue_dma source(%dma_start3A_108 : memref<632x128xf32, #tpu.memory_space<vmem_shared>>) target(%dma_start3A_106 : memref<632x128xf32, #tpu.memory_space<hbm>>) target_semaphore(%run_scoped3A : memref<!tpu.dma_semaphore, #tpu.memory_space<semaphore_mem>>)
      %dma_wait3A_109 = arith.constant 0 : i32
      %dma_wait3A_110 = tpu.memref_slice %arg8[%arg0, %mul3A_103, %dma_wait3A_109] : memref<2x10112x128xf32, #tpu.memory_space<hbm>> -> memref<1x632x128xf32, #tpu.memory_space<hbm>>
      %dma_wait3A_111 = tpu.memref_squeeze %dma_wait3A_110 : memref<1x632x128xf32, #tpu.memory_space<hbm>> -> memref<632x128xf32, #tpu.memory_space<hbm>>
      %dma_wait3A_112 = arith.constant 0 : i32
      %dma_wait3A_113 = tpu.memref_slice %arg21[%mul3A_101, %dma_wait3A_112] : memref<10112x128xf32, #tpu.memory_space<vmem_shared>> -> memref<632x128xf32, #tpu.memory_space<vmem_shared>>
      tpu.wait_dma2 semaphore(%run_scoped3A : memref<!tpu.dma_semaphore, #tpu.memory_space<semaphore_mem>>) src(%dma_wait3A_113 : memref<632x128xf32, #tpu.memory_space<vmem_shared>>) dst(%dma_wait3A_111 : memref<632x128xf32, #tpu.memory_space<hbm>>)
      tpu.yield
    }) : () -> ()
    return
  }
}

module attributes {stable_mosaic.version = 14 : i64} {
  func.func @_tc_body(%arg0: i32, %arg1: memref<2x1000x128xf32, #tpu.memory_space<vmem>>, %arg2: memref<1000x128xf32, #tpu.memory_space<vmem>>, %arg3: memref<1x1x1000xi32, #tpu.memory_space<vmem>>, %arg4: memref<128x128xf32, #tpu.memory_space<vmem>>, %arg5: memref<128x128xf32, #tpu.memory_space<vmem>>, %arg6: memref<128x128xf32, #tpu.memory_space<vmem>>, %arg7: memref<1x128xf32, #tpu.memory_space<vmem>>, %arg8: memref<128x1xf32, #tpu.memory_space<vmem>>, %arg9: memref<1x1xf32, #tpu.memory_space<vmem>>, %arg10: memref<128x256xf32, #tpu.memory_space<vmem>>, %arg11: memref<1x256xf32, #tpu.memory_space<vmem>>, %arg12: memref<256x256xf32, #tpu.memory_space<vmem>>, %arg13: memref<1x256xf32, #tpu.memory_space<vmem>>, %arg14: memref<128x1000xf32, #tpu.memory_space<vmem>>, %arg15: memref<128x1000xf32, #tpu.memory_space<vmem>>, %arg16: memref<1x1000xf32, #tpu.memory_space<vmem>>, %arg17: memref<128x1xf32, #tpu.memory_space<vmem>>, %arg18: memref<128x1000xf32, #tpu.memory_space<vmem>>, %arg19: memref<128x128xf32, #tpu.memory_space<vmem>>) attributes {dimension_semantics = [#tpu.dimension_semantics<arbitrary>], iteration_bounds = array<i64: 10>, scalar_prefetch = 0 : i64, scratch_operands = 1 : i64, tpu.core_type = #tpu.core_type<tc>, window_params = [{transform_indices = @transform_0, window_bounds = array<i64: 2, 1000, 128>}, {transform_indices = @transform_1, window_bounds = array<i64: 1000, 128>}, {transform_indices = @transform_2, window_bounds = array<i64: 1, 1, 1000>}, {pipeline_mode = #tpu.pipeline_mode<synchronous>, transform_indices = @transform_3, window_bounds = array<i64: 128, 128>}, {pipeline_mode = #tpu.pipeline_mode<synchronous>, transform_indices = @transform_4, window_bounds = array<i64: 128, 128>}, {pipeline_mode = #tpu.pipeline_mode<synchronous>, transform_indices = @transform_5, window_bounds = array<i64: 128, 128>}, {pipeline_mode = #tpu.pipeline_mode<synchronous>, transform_indices = @transform_6, window_bounds = array<i64: 1, 128>}, {pipeline_mode = #tpu.pipeline_mode<synchronous>, transform_indices = @transform_7, window_bounds = array<i64: 128, 1>}, {pipeline_mode = #tpu.pipeline_mode<synchronous>, transform_indices = @transform_8, window_bounds = array<i64: 1, 1>}, {pipeline_mode = #tpu.pipeline_mode<synchronous>, transform_indices = @transform_9, window_bounds = array<i64: 128, 256>}, {pipeline_mode = #tpu.pipeline_mode<synchronous>, transform_indices = @transform_10, window_bounds = array<i64: 1, 256>}, {pipeline_mode = #tpu.pipeline_mode<synchronous>, transform_indices = @transform_11, window_bounds = array<i64: 256, 256>}, {pipeline_mode = #tpu.pipeline_mode<synchronous>, transform_indices = @transform_12, window_bounds = array<i64: 1, 256>}, {pipeline_mode = #tpu.pipeline_mode<synchronous>, transform_indices = @transform_13, window_bounds = array<i64: 128, 1000>}, {pipeline_mode = #tpu.pipeline_mode<synchronous>, transform_indices = @transform_14, window_bounds = array<i64: 128, 1000>}, {pipeline_mode = #tpu.pipeline_mode<synchronous>, transform_indices = @transform_15, window_bounds = array<i64: 1, 1000>}, {pipeline_mode = #tpu.pipeline_mode<synchronous>, transform_indices = @transform_16, window_bounds = array<i64: 128, 1>}, {pipeline_mode = #tpu.pipeline_mode<synchronous>, transform_indices = @transform_17, window_bounds = array<i64: 128, 1000>}]} {
    %eq3A = arith.constant 0 : i32
    %eq3A_0 = arith.cmpi eq, %arg0, %eq3A : i32
    %convert_element_type3A = arith.extui %eq3A_0 : i1 to i32
    %cond3A = arith.constant 0 : i32
    %cond3A_1 = arith.cmpi ne, %convert_element_type3A, %cond3A : i32
    scf.if %cond3A_1 {
      %broadcast_in_dim3A = arith.constant 0.000000e+00 : f32
      %broadcast_in_dim3A_48 = vector.broadcast %broadcast_in_dim3A : f32 to vector<128x128xf32>
      %swap3A_49 = arith.constant 0 : index
      %swap3A_50 = arith.constant 0 : index
      %swap3A_51 = vector.load %arg19[%swap3A_49, %swap3A_50] : memref<128x128xf32, #tpu.memory_space<vmem>>, vector<128x128xf32>
      tpu.vector_store %arg19[%swap3A_49, %swap3A_50], %broadcast_in_dim3A_48 {strides = array<i32>} : memref<128x128xf32, #tpu.memory_space<vmem>>, vector<128x128xf32>,
    } else {
    }
    %get3A = arith.constant 0 : index
    %get3A_2 = arith.constant 0 : index
    %get3A_3 = arith.constant 0 : index
    %get3A_4 = vector.load %arg1[%get3A, %get3A_2, %get3A_3] : memref<2x1000x128xf32, #tpu.memory_space<vmem>>, vector<1x1000x128xf32>
    %get3A_5 = vector.shape_cast %get3A_4 : vector<1x1000x128xf32> to vector<1000x128xf32>
    %get3A_6 = arith.constant 1 : index
    %get3A_7 = arith.constant 0 : index
    %get3A_8 = arith.constant 0 : index
    %get3A_9 = vector.load %arg1[%get3A_6, %get3A_7, %get3A_8] : memref<2x1000x128xf32, #tpu.memory_space<vmem>>, vector<1x1000x128xf32>
    %get3A_10 = vector.shape_cast %get3A_9 : vector<1x1000x128xf32> to vector<1000x128xf32>
    %add3A = arith.addf %get3A_5, %get3A_10 : vector<1000x128xf32>
    %get3A_11 = arith.constant 0 : index
    %get3A_12 = arith.constant 0 : index
    %get3A_13 = vector.load %arg4[%get3A_11, %get3A_12] : memref<128x128xf32, #tpu.memory_space<vmem>>, vector<128x128xf32>
    %dot_general3A = arith.constant dense<0.000000e+00> : vector<1000x128xf32>
    %dot_general3A_14 = tpu.matmul %add3A, %get3A_13, %dot_general3A {dimension_numbers = #tpu.dot_dimension_numbers<[1], [0], [0], [1], [0, 0, 1, 1], [], []>, transpose_lhs_hint = false} : vector<1000x128xf32>, vector<128x128xf32>, vector<1000x128xf32> -> vector<1000x128xf32>
    %get3A_15 = arith.constant 0 : index
    %get3A_16 = arith.constant 0 : index
    %get3A_17 = vector.load %arg2[%get3A_15, %get3A_16] : memref<1000x128xf32, #tpu.memory_space<vmem>>, vector<1000x128xf32>
    %get3A_18 = arith.constant 0 : index
    %get3A_19 = arith.constant 0 : index
    %get3A_20 = vector.load %arg5[%get3A_18, %get3A_19] : memref<128x128xf32, #tpu.memory_space<vmem>>, vector<128x128xf32>
    %dot_general3A_21 = arith.constant dense<0.000000e+00> : vector<1000x128xf32>
    %dot_general3A_22 = tpu.matmul %get3A_17, %get3A_20, %dot_general3A_21 {dimension_numbers = #tpu.dot_dimension_numbers<[1], [0], [0], [1], [0, 0, 1, 1], [], []>, transpose_lhs_hint = false} : vector<1000x128xf32>, vector<128x128xf32>, vector<1000x128xf32> -> vector<1000x128xf32>
    %add3A_23 = arith.addf %dot_general3A_14, %dot_general3A_22 : vector<1000x128xf32>
    %max3A = arith.constant 0.000000e+00 : f32
    %max3A_24 = vector.broadcast %max3A : f32 to vector<1000x128xf32>
    %max3A_25 = arith.maximumf %add3A_23, %max3A_24 : vector<1000x128xf32>
    %get3A_26 = arith.constant 0 : index
    %get3A_27 = arith.constant 0 : index
    %get3A_28 = arith.constant 0 : index
    %get3A_29 = vector.load %arg3[%get3A_26, %get3A_27, %get3A_28] : memref<1x1x1000xi32, #tpu.memory_space<vmem>>, vector<1x1x1000xi32>
    %get3A_30 = vector.shape_cast %get3A_29 : vector<1x1x1000xi32> to vector<1x1000xi32>
    %iota3A = tpu.iota {dimensions = array<i32: 0>} : vector<128x1000xi32>
    %eq3A_31 = vector.broadcast %get3A_30 : vector<1x1000xi32> to vector<128x1000xi32>
    %eq3A_32 = arith.cmpi eq, %eq3A_31, %iota3A : vector<128x1000xi32>
    %convert_element_type3A_33 = arith.extui %eq3A_32 : vector<128x1000xi1> to vector<128x1000xi32>
    %convert_element_type3A_34 = arith.sitofp %convert_element_type3A_33 : vector<128x1000xi32> to vector<128x1000xf32>
    %get3A_35 = arith.constant 0 : index
    %get3A_36 = arith.constant 0 : index
    %get3A_37 = vector.load %arg19[%get3A_35, %get3A_36] : memref<128x128xf32, #tpu.memory_space<vmem>>, vector<128x128xf32>
    %dot_general3A_38 = arith.constant dense<0.000000e+00> : vector<128x128xf32>
    %dot_general3A_39 = tpu.matmul %convert_element_type3A_34, %max3A_25, %dot_general3A_38 {dimension_numbers = #tpu.dot_dimension_numbers<[1], [0], [0], [1], [0, 0, 1, 1], [], []>, transpose_lhs_hint = false} : vector<128x1000xf32>, vector<1000x128xf32>, vector<128x128xf32> -> vector<128x128xf32>
    %add3A_40 = arith.addf %get3A_37, %dot_general3A_39 : vector<128x128xf32>
    %swap3A = arith.constant 0 : index
    %swap3A_41 = arith.constant 0 : index
    %swap3A_42 = vector.load %arg19[%swap3A, %swap3A_41] : memref<128x128xf32, #tpu.memory_space<vmem>>, vector<128x128xf32>
    tpu.vector_store %arg19[%swap3A, %swap3A_41], %add3A_40 {strides = array<i32>} : memref<128x128xf32, #tpu.memory_space<vmem>>, vector<128x128xf32>,
    %eq3A_43 = arith.constant 9 : i32
    %eq3A_44 = arith.cmpi eq, %arg0, %eq3A_43 : i32
    %convert_element_type3A_45 = arith.extui %eq3A_44 : i1 to i32
    %cond3A_46 = arith.constant 0 : i32
    %cond3A_47 = arith.cmpi ne, %convert_element_type3A_45, %cond3A_46 : i32
    scf.if %cond3A_47 {
      %get3A_48 = arith.constant 0 : index
      %get3A_49 = arith.constant 0 : index
      %get3A_50 = vector.load %arg19[%get3A_48, %get3A_49] : memref<128x128xf32, #tpu.memory_space<vmem>>, vector<128x128xf32>
      %get3A_51 = arith.constant 0 : index
      %get3A_52 = arith.constant 0 : index
      %get3A_53 = vector.load %arg6[%get3A_51, %get3A_52] : memref<128x128xf32, #tpu.memory_space<vmem>>, vector<128x128xf32>
      %dot_general3A_54 = arith.constant dense<0.000000e+00> : vector<128x128xf32>
      %dot_general3A_55 = tpu.matmul %get3A_50, %get3A_53, %dot_general3A_54 {dimension_numbers = #tpu.dot_dimension_numbers<[1], [0], [0], [1], [0, 0, 1, 1], [], []>, transpose_lhs_hint = false} : vector<128x128xf32>, vector<128x128xf32>, vector<128x128xf32> -> vector<128x128xf32>
      %get3A_56 = arith.constant 0 : index
      %get3A_57 = arith.constant 0 : index
      %get3A_58 = vector.load %arg7[%get3A_56, %get3A_57] : memref<1x128xf32, #tpu.memory_space<vmem>>, vector<1x128xf32>
      %add3A_59 = vector.broadcast %get3A_58 : vector<1x128xf32> to vector<128x128xf32>
      %add3A_60 = arith.addf %dot_general3A_55, %add3A_59 : vector<128x128xf32>
      %max3A_61 = arith.constant 0.000000e+00 : f32
      %max3A_62 = vector.broadcast %max3A_61 : f32 to vector<128x128xf32>
      %max3A_63 = arith.maximumf %add3A_60, %max3A_62 : vector<128x128xf32>
      %get3A_64 = arith.constant 0 : index
      %get3A_65 = arith.constant 0 : index
      %get3A_66 = vector.load %arg8[%get3A_64, %get3A_65] : memref<128x1xf32, #tpu.memory_space<vmem>>, vector<128x1xf32>
      %dot_general3A_67 = arith.constant dense<0.000000e+00> : vector<128x1xf32>
      %dot_general3A_68 = tpu.matmul %max3A_63, %get3A_66, %dot_general3A_67 {dimension_numbers = #tpu.dot_dimension_numbers<[1], [0], [0], [1], [0, 0, 1, 1], [], []>, transpose_lhs_hint = false} : vector<128x128xf32>, vector<128x1xf32>, vector<128x1xf32> -> vector<128x1xf32>
      %get3A_69 = arith.constant 0 : index
      %get3A_70 = arith.constant 0 : index
      %get3A_71 = vector.load %arg9[%get3A_69, %get3A_70] : memref<1x1xf32, #tpu.memory_space<vmem>>, vector<1x1xf32>
      %add3A_72 = vector.broadcast %get3A_71 : vector<1x1xf32> to vector<128x1xf32>
      %add3A_73 = arith.addf %dot_general3A_68, %add3A_72 : vector<128x1xf32>
      %logistic3A = arith.negf %add3A_73 : vector<128x1xf32>
      %logistic3A_74 = math.exp %logistic3A : vector<128x1xf32>
      %logistic3A_75 = arith.constant 1.000000e+00 : f32
      %logistic3A_76 = vector.broadcast %logistic3A_75 : f32 to vector<128x1xf32>
      %logistic3A_77 = arith.addf %logistic3A_76, %logistic3A_74 : vector<128x1xf32>
      %logistic3A_78 = arith.divf %logistic3A_76, %logistic3A_77 : vector<128x1xf32>
      %swap3A_79 = arith.constant 0 : index
      %swap3A_80 = arith.constant 0 : index
      %swap3A_81 = vector.load %arg17[%swap3A_79, %swap3A_80] : memref<128x1xf32, #tpu.memory_space<vmem>>, vector<128x1xf32>
      tpu.vector_store %arg17[%swap3A_79, %swap3A_80], %logistic3A_78 {strides = array<i32>} : memref<128x1xf32, #tpu.memory_space<vmem>>, vector<128x1xf32>,
      %get3A_82 = arith.constant 0 : index
      %get3A_83 = arith.constant 0 : index
      %get3A_84 = vector.load %arg10[%get3A_82, %get3A_83] : memref<128x256xf32, #tpu.memory_space<vmem>>, vector<128x256xf32>
      %dot_general3A_85 = arith.constant dense<0.000000e+00> : vector<128x256xf32>
      %dot_general3A_86 = tpu.matmul %get3A_50, %get3A_84, %dot_general3A_85 {dimension_numbers = #tpu.dot_dimension_numbers<[1], [0], [0], [1], [0, 0, 1, 1], [], []>, transpose_lhs_hint = false} : vector<128x128xf32>, vector<128x256xf32>, vector<128x256xf32> -> vector<128x256xf32>
      %get3A_87 = arith.constant 0 : index
      %get3A_88 = arith.constant 0 : index
      %get3A_89 = vector.load %arg11[%get3A_87, %get3A_88] : memref<1x256xf32, #tpu.memory_space<vmem>>, vector<1x256xf32>
      %add3A_90 = vector.broadcast %get3A_89 : vector<1x256xf32> to vector<128x256xf32>
      %add3A_91 = arith.addf %dot_general3A_86, %add3A_90 : vector<128x256xf32>
      %max3A_92 = arith.constant 0.000000e+00 : f32
      %max3A_93 = vector.broadcast %max3A_92 : f32 to vector<128x256xf32>
      %max3A_94 = arith.maximumf %add3A_91, %max3A_93 : vector<128x256xf32>
      %get3A_95 = arith.constant 0 : index
      %get3A_96 = arith.constant 0 : index
      %get3A_97 = vector.load %arg12[%get3A_95, %get3A_96] : memref<256x256xf32, #tpu.memory_space<vmem>>, vector<256x256xf32>
      %dot_general3A_98 = arith.constant dense<0.000000e+00> : vector<128x256xf32>
      %dot_general3A_99 = tpu.matmul %max3A_94, %get3A_97, %dot_general3A_98 {dimension_numbers = #tpu.dot_dimension_numbers<[1], [0], [0], [1], [0, 0, 1, 1], [], []>, transpose_lhs_hint = false} : vector<128x256xf32>, vector<256x256xf32>, vector<128x256xf32> -> vector<128x256xf32>
      %get3A_100 = arith.constant 0 : index
      %get3A_101 = arith.constant 0 : index
      %get3A_102 = vector.load %arg13[%get3A_100, %get3A_101] : memref<1x256xf32, #tpu.memory_space<vmem>>, vector<1x256xf32>
      %add3A_103 = vector.broadcast %get3A_102 : vector<1x256xf32> to vector<128x256xf32>
      %add3A_104 = arith.addf %dot_general3A_99, %add3A_103 : vector<128x256xf32>
      %slice3A = vector.extract_strided_slice %add3A_104 {offsets = [0, 0], sizes = [128, 128], strides = [1, 1]} : vector<128x256xf32> to vector<128x128xf32>
      %add3A_105 = arith.addf %get3A_50, %slice3A : vector<128x128xf32>
      %max3A_106 = arith.constant 0.000000e+00 : f32
      %max3A_107 = vector.broadcast %max3A_106 : f32 to vector<128x128xf32>
      %max3A_108 = arith.maximumf %add3A_105, %max3A_107 : vector<128x128xf32>
      %slice3A_109 = vector.extract_strided_slice %add3A_104 {offsets = [0, 128], sizes = [128, 128], strides = [1, 1]} : vector<128x256xf32> to vector<128x128xf32>
      %max3A_110 = arith.constant 0.000000e+00 : f32
      %max3A_111 = vector.broadcast %max3A_110 : f32 to vector<128x128xf32>
      %max3A_112 = arith.maximumf %slice3A_109, %max3A_111 : vector<128x128xf32>
      %get3A_113 = arith.constant 0 : index
      %get3A_114 = arith.constant 0 : index
      %get3A_115 = vector.load %arg14[%get3A_113, %get3A_114] : memref<128x1000xf32, #tpu.memory_space<vmem>>, vector<128x1000xf32>
      %dot_general3A_116 = arith.constant dense<0.000000e+00> : vector<128x1000xf32>
      %dot_general3A_117 = tpu.matmul %max3A_108, %get3A_115, %dot_general3A_116 {dimension_numbers = #tpu.dot_dimension_numbers<[1], [0], [0], [1], [0, 0, 1, 1], [], []>, transpose_lhs_hint = false} : vector<128x128xf32>, vector<128x1000xf32>, vector<128x1000xf32> -> vector<128x1000xf32>
      %get3A_118 = arith.constant 0 : index
      %get3A_119 = arith.constant 0 : index
      %get3A_120 = vector.load %arg15[%get3A_118, %get3A_119] : memref<128x1000xf32, #tpu.memory_space<vmem>>, vector<128x1000xf32>
      %dot_general3A_121 = arith.constant dense<0.000000e+00> : vector<128x1000xf32>
      %dot_general3A_122 = tpu.matmul %max3A_112, %get3A_120, %dot_general3A_121 {dimension_numbers = #tpu.dot_dimension_numbers<[1], [0], [0], [1], [0, 0, 1, 1], [], []>, transpose_lhs_hint = false} : vector<128x128xf32>, vector<128x1000xf32>, vector<128x1000xf32> -> vector<128x1000xf32>
      %add3A_123 = arith.addf %dot_general3A_117, %dot_general3A_122 : vector<128x1000xf32>
      %get3A_124 = arith.constant 0 : index
      %get3A_125 = arith.constant 0 : index
      %get3A_126 = vector.load %arg16[%get3A_124, %get3A_125] : memref<1x1000xf32, #tpu.memory_space<vmem>>, vector<1x1000xf32>
      %add3A_127 = vector.broadcast %get3A_126 : vector<1x1000xf32> to vector<128x1000xf32>
      %add3A_128 = arith.addf %add3A_123, %add3A_127 : vector<128x1000xf32>
      %swap3A_129 = arith.constant 0 : index
      %swap3A_130 = arith.constant 0 : index
      %swap3A_131 = vector.load %arg18[%swap3A_129, %swap3A_130] : memref<128x1000xf32, #tpu.memory_space<vmem>>, vector<128x1000xf32>
      tpu.vector_store %arg18[%swap3A_129, %swap3A_130], %add3A_128 {strides = array<i32>} : memref<128x1000xf32, #tpu.memory_space<vmem>>, vector<128x1000xf32>,
    } else {
    }
    return
  }
  func.func @transform_0(%arg0: i32) -> (i32, i32, i32) {
    %c0_i32 = arith.constant 0 : i32
    %c0_i32_0 = arith.constant 0 : i32
    %c0_i32_1 = arith.constant 0 : i32
    return %c0_i32, %arg0, %c0_i32_0 : i32, i32, i32
  }
  func.func @transform_1(%arg0: i32) -> (i32, i32) {
    %c0_i32 = arith.constant 0 : i32
    %c0_i32_0 = arith.constant 0 : i32
    return %arg0, %c0_i32 : i32, i32
  }
  func.func @transform_2(%arg0: i32) -> (i32, i32, i32) {
    %c0_i32 = arith.constant 0 : i32
    %c0_i32_0 = arith.constant 0 : i32
    %c0_i32_1 = arith.constant 0 : i32
    return %arg0, %c0_i32, %c0_i32_0 : i32, i32, i32
  }
  func.func @transform_3(%arg0: i32) -> (i32, i32) {
    %c0_i32 = arith.constant 0 : i32
    %c0_i32_0 = arith.constant 0 : i32
    %c0_i32_1 = arith.constant 0 : i32
    return %c0_i32, %c0_i32_0 : i32, i32
  }
  func.func @transform_4(%arg0: i32) -> (i32, i32) {
    %c0_i32 = arith.constant 0 : i32
    %c0_i32_0 = arith.constant 0 : i32
    %c0_i32_1 = arith.constant 0 : i32
    return %c0_i32, %c0_i32_0 : i32, i32
  }
  func.func @transform_5(%arg0: i32) -> (i32, i32) {
    %c0_i32 = arith.constant 0 : i32
    %c0_i32_0 = arith.constant 0 : i32
    %c0_i32_1 = arith.constant 0 : i32
    return %c0_i32, %c0_i32_0 : i32, i32
  }
  func.func @transform_6(%arg0: i32) -> (i32, i32) {
    %c0_i32 = arith.constant 0 : i32
    %c0_i32_0 = arith.constant 0 : i32
    %c0_i32_1 = arith.constant 0 : i32
    return %c0_i32, %c0_i32_0 : i32, i32
  }
  func.func @transform_7(%arg0: i32) -> (i32, i32) {
    %c0_i32 = arith.constant 0 : i32
    %c0_i32_0 = arith.constant 0 : i32
    %c0_i32_1 = arith.constant 0 : i32
    return %c0_i32, %c0_i32_0 : i32, i32
  }
  func.func @transform_8(%arg0: i32) -> (i32, i32) {
    %c0_i32 = arith.constant 0 : i32
    %c0_i32_0 = arith.constant 0 : i32
    %c0_i32_1 = arith.constant 0 : i32
    return %c0_i32, %c0_i32_0 : i32, i32
  }
  func.func @transform_9(%arg0: i32) -> (i32, i32) {
    %c0_i32 = arith.constant 0 : i32
    %c0_i32_0 = arith.constant 0 : i32
    %c0_i32_1 = arith.constant 0 : i32
    return %c0_i32, %c0_i32_0 : i32, i32
  }
  func.func @transform_10(%arg0: i32) -> (i32, i32) {
    %c0_i32 = arith.constant 0 : i32
    %c0_i32_0 = arith.constant 0 : i32
    %c0_i32_1 = arith.constant 0 : i32
    return %c0_i32, %c0_i32_0 : i32, i32
  }
  func.func @transform_11(%arg0: i32) -> (i32, i32) {
    %c0_i32 = arith.constant 0 : i32
    %c0_i32_0 = arith.constant 0 : i32
    %c0_i32_1 = arith.constant 0 : i32
    return %c0_i32, %c0_i32_0 : i32, i32
  }
  func.func @transform_12(%arg0: i32) -> (i32, i32) {
    %c0_i32 = arith.constant 0 : i32
    %c0_i32_0 = arith.constant 0 : i32
    %c0_i32_1 = arith.constant 0 : i32
    return %c0_i32, %c0_i32_0 : i32, i32
  }
  func.func @transform_13(%arg0: i32) -> (i32, i32) {
    %c0_i32 = arith.constant 0 : i32
    %c0_i32_0 = arith.constant 0 : i32
    %c0_i32_1 = arith.constant 0 : i32
    return %c0_i32, %c0_i32_0 : i32, i32
  }
  func.func @transform_14(%arg0: i32) -> (i32, i32) {
    %c0_i32 = arith.constant 0 : i32
    %c0_i32_0 = arith.constant 0 : i32
    %c0_i32_1 = arith.constant 0 : i32
    return %c0_i32, %c0_i32_0 : i32, i32
  }
  func.func @transform_15(%arg0: i32) -> (i32, i32) {
    %c0_i32 = arith.constant 0 : i32
    %c0_i32_0 = arith.constant 0 : i32
    %c0_i32_1 = arith.constant 0 : i32
    return %c0_i32, %c0_i32_0 : i32, i32
  }
  func.func @transform_16(%arg0: i32) -> (i32, i32) {
    %c0_i32 = arith.constant 0 : i32
    %c0_i32_0 = arith.constant 0 : i32
    %c0_i32_1 = arith.constant 0 : i32
    return %c0_i32, %c0_i32_0 : i32, i32
  }
  func.func @transform_17(%arg0: i32) -> (i32, i32) {
    %c0_i32 = arith.constant 0 : i32
    %c0_i32_0 = arith.constant 0 : i32
    %c0_i32_1 = arith.constant 0 : i32
    return %c0_i32, %c0_i32_0 : i32, i32
  }
}

</mosaic_0001>

<sc_bundles>
// kernel: kernel.4.cloned.1.call-start
scs
__scs_entry_jumppad:
0x0: {  	(pc) =	sbr.rel $0x88, $3  }
0x1: {  	(tag) =	ssettag $0x0;
	lr =	simm.s32 $0x1  }
0x2: {  	[smem:$0x3F91] =	sst lr;
	_ =	strace $0xD0000000  }
0x3: {  	_ = 	snop  }
0x4: {  	_ = 	snop  }
0x5: {  	_ = 	snop  }
0x6: {  	_ = 	snop  }
0x7: {  	_ = 	snop  }
__scs_overlays_trampoline_lowered:
0x8: {  	[smem:$0x3FA0] =	sst s0  }
0x9: {  	[smem:$0x3FA1] =	sst s1  }
0xa: {  	[smem:$0x3FA2] =	sst s2  }
0xb: {  	[smem:$0x3FA3] =	sst s3  }
0xc: {  	[smem:$0x3FA4] =	sst s4  }
0xd: {  	[smem:$0x3FA5] =	sst s5  }
0xe: {  	[smem:$0x3FA6] =	sst s6  }
0xf: {  	[smem:$0x3FA7] =	sst s7  }
0x10: {  	[smem:$0x3FA8] =	sst s8  }
0x11: {  	[smem:$0x3FA9] =	sst s9;
	s0 =	simm.s32 @!p0 $0x0  }
0x12: {  	s1 =	sld [smem:$0x3F8F];
	s0 =	simm.s32 @p0 $0x1  }
0x13: {  	[smem:$0x3FAA] =	sst s0;
	s0 =	simm.s32 @!p1 $0x0  }
0x14: {  	s2 =	sld [smem:$0x3F8E];
	s0 =	simm.s32 @p1 $0x1  }
0x15: {  	[smem:$0x3FAB] =	sst s0;
	s0 =	simm.s32 @!p2 $0x0  }
0x16: {  	s3 =	sld [smem:$0x3FDB];
	s0 =	simm.s32 @p2 $0x1  }
0x17: {  	s4 =	simm.s32 $0x1BF5;
	[smem:$0x3FAD] =	sst s0  }
0x18: {  	s0 =	sld [smem:$0x3F90];
	_ =	swait.ge [sflag:s4], $0x0  }
0x19: {  	s7 =	sld [smem:$0x3F91]  }
0x1a: {  	s8 =	sadd.s32 $0xFFFFE003, lr  }
0x1b: {  	s9 =	sadd.s32 $0xFFFFFEF7, lr;
	s5 =	simm.s32 $0xFFFFFFFF;
	p2 =	slt.u32 s8, $0xFFFFF086  }
0x1c: {  	p1 =	slt.u32 s9, $0xF7A;
	s5 =	simm.s32 @!p2 $0x0  }
0x1d: {  	s5 =	simm.s32 @p1 $0x1;
	p0 =	seq.s32 s7, s2  }
0x1e: {  	s7 =	smul.u32 @!p0 $0xF7A, s2;
	p2 =	seq.s32 @!p0 s5, $0x0  }
0x1f: {  	s9 =	smul.u32 $0xF7A, s1;
	s8 =	simm.s32 @!p0 $0x1BF5;
	p2 =	por !p2, p0  }
0x20: {  	[sflag:s8] =	ssyncset.s32 @!p0 $0xFFFFF086;
	s6 =	sadd.s32 @!p0 s3, s7;
	s7 =	simm.s32 @!p0 $0x108  }
0x21: {  	s3 =	sadd.s32 s3, s9;
	s6 =	sadd.s32 @!p0 $0x88, s6;
	s7 =	simm.s32 @p2 $0x1082  }
0x22: {  	[simem:s7], [sflag:s8] =	dma.local @!p0 [hbm:s6], $0xF7A  }
0x23: {  	s9 =	sor.u32 $0xD0000000, s2;
	s6 =	simm.s32 $0x108;
	_ =	swait.ge @!p0 [sflag:s8], $0x0  }
0x24: {  	s3 =	sadd.s32 $0x88, s3;
	s6 =	simm.s32 @!p1 $0x1082;
	[sflag:s4] =	ssyncset.s32 $0xFFFFF086  }
0x25: {  	[simem:s6], [sflag:s4] =	dma.local [hbm:s3], $0xF7A  }
0x26: {  	[smem:$0x3F91] =	sst s1;
	(tag) =	ssettag s2;
	_ =	strace s9  }
0x27: {  	s1 =	sld [smem:$0x3FA1]  }
0x28: {  	s2 =	sld [smem:$0x3FA2]  }
0x29: {  	s4 =	sld [smem:$0x3FA4]  }
0x2a: {  	p0 =	seq.s32 s5, $0x0;
	s5 =	sld [smem:$0x3FA5]  }
0x2b: {  	s6 =	sld [smem:$0x3FA6]  }
0x2c: {  	s7 =	sld [smem:$0x3FA7]  }
0x2d: {  	s3 =	simm.s32 $0x108;
	s8 =	sld [smem:$0x3FA8]  }
0x2e: {  	s3 =	simm.s32 @!p0 $0x1082;
	s9 =	sld [smem:$0x3FA9]  }
0x2f: {  	lr =	sadd.s32 s0, s3;
	s0 =	sld [smem:$0x3FA0]  }
0x30: {  	s3 =	sld [smem:$0x3FA3]  }
0x31: {  	[smem:$0x3FAC] =	sst s10  }
0x32: {  	s10 =	sld [smem:$0x3FAA];
	_ =	sdelay $0x3  }
0x33: {  	p0 =	seq.s32 s10, $0x1;
	s10 =	sld [smem:$0x3FAC];
	_ =	sdelay $0x3  }
0x34: {  	[smem:$0x3FAC] =	sst s10  }
0x35: {  	s10 =	sld [smem:$0x3FAB];
	_ =	sdelay $0x3  }
0x36: {  	p1 =	seq.s32 s10, $0x1;
	s10 =	sld [smem:$0x3FAC];
	_ =	sdelay $0x3  }
0x37: {  	[smem:$0x3FAC] =	sst s10  }
0x38: {  	s10 =	sld [smem:$0x3FAD]  }
0x39: {  	_ = 	snop;
	(pc) =	sbr.ind lr, $3  }
0x3a: {  	_ = 	snop  }
0x3b: {  	_ = 	snop  }
0x3c: {  	p2 =	seq.s32 s10, $0x1;
	s10 =	sld [smem:$0x3FAC]  }
0x3d: {  	_ =	shalt  }
0x3e: {  	_ =	shalt  }
0x3f: {  	_ =	shalt  }
0x40: {  	_ =	shalt  }
0x41: {  	_ =	shalt  }
0x42: {  	_ =	shalt  }
0x43: {  	_ =	shalt  }
0x44: {  	_ =	shalt  }
0x45: {  	_ =	shalt  }
0x46: {  	_ =	shalt  }
0x47: {  	_ =	shalt  }
0x48: {  	_ =	shalt  }
0x49: {  	_ =	shalt  }
0x4a: {  	_ =	shalt  }
0x4b: {  	_ =	shalt  }
0x4c: {  	_ =	shalt  }
0x4d: {  	_ =	shalt  }
0x4e: {  	_ =	shalt  }
0x4f: {  	_ =	shalt  }
0x50: {  	_ =	shalt  }
0x51: {  	_ =	shalt  }
0x52: {  	_ =	shalt  }
0x53: {  	_ =	shalt  }
0x54: {  	_ =	shalt  }
0x55: {  	_ =	shalt  }
0x56: {  	_ =	shalt  }
0x57: {  	_ =	shalt  }
0x58: {  	_ =	shalt  }
0x59: {  	_ =	shalt  }
0x5a: {  	_ =	shalt  }
0x5b: {  	_ =	shalt  }
0x5c: {  	_ =	shalt  }
0x5d: {  	_ =	shalt  }
0x5e: {  	_ =	shalt  }
0x5f: {  	_ =	shalt  }
0x60: {  	_ =	shalt  }
0x61: {  	_ =	shalt  }
0x62: {  	_ =	shalt  }
0x63: {  	_ =	shalt  }
0x64: {  	_ =	shalt  }
0x65: {  	_ =	shalt  }
0x66: {  	_ =	shalt  }
0x67: {  	_ =	shalt  }
0x68: {  	_ =	shalt  }
0x69: {  	_ =	shalt  }
0x6a: {  	_ =	shalt  }
0x6b: {  	_ =	shalt  }
0x6c: {  	_ =	shalt  }
0x6d: {  	_ =	shalt  }
0x6e: {  	_ =	shalt  }
0x6f: {  	_ =	shalt  }
0x70: {  	_ =	shalt  }
0x71: {  	_ =	shalt  }
0x72: {  	_ =	shalt  }
0x73: {  	_ =	shalt  }
0x74: {  	_ =	shalt  }
0x75: {  	_ =	shalt  }
0x76: {  	_ =	shalt  }
0x77: {  	_ =	shalt  }
0x78: {  	_ =	shalt  }
0x79: {  	_ =	shalt  }
0x7a: {  	_ =	shalt  }
0x7b: {  	_ =	shalt  }
0x7c: {  	_ =	shalt  }
0x7d: {  	_ =	shalt  }
0x7e: {  	_ =	shalt  }
0x7f: {  	_ =	shalt  }
0x80: {  	_ =	shalt  }
0x81: {  	_ =	shalt  }
0x82: {  	_ =	shalt  }
0x83: {  	_ =	shalt  }
0x84: {  	_ =	shalt  }
0x85: {  	_ =	shalt  }
0x86: {  	_ =	shalt  }
0x87: {  	_ =	shalt  }
.Lfunc_end0:
.L_simem_size_0:
called_computation_lowered:
.L_overlay_start_0:
0x88: {  	s2 =	sld [smem:$0x3FD9]  }
0x89: {  	s3 =	sld [smem:$0x3FFE];
	_ =	sdelay $0x1  }
0x8a: {  	s1 =	srdreg.scid  }
0x8b: {  	s0 =	sand.u32 $0x1, s1  }
0x8c: {  	s17 =	sshll.u32 s0, $0xA;
	s2 =	sadd.s32 s3, s2  }
0x8d: {  	s2 =	sadd.s32 s2, s17  }
0x8e: {  	[smem:$0x3FB8] =	sst s2  }
0x8f: {  	_ = 	snop  }
0x90: {  	s2 =	sld [smem:$0x3FC9]  }
0x91: {  	s18 =	sld [smem:$0x3FC6]  }
0x92: {  	s4 =	sld [smem:$0x3FD0];
	(tm) =	ssettm $0x1  }
0x93: {  	s5 =	sld [smem:$0x3FFB];
	_ =	sdelay $0x3  }
0x94: {  	_ =	strace s5  }
0x95: {  	s5 =	sld [smem:$0x3FFC];
	_ =	sdelay $0x3  }
0x96: {  	_ =	strace s5  }
0x97: {  	s5 =	sld [smem:$0x3FFD];
	_ =	sdelay $0x3  }
0x98: {  	_ =	strace s5  }
0x99: {  	_ =	strace $0x8FFFFFFF  }
0x9a: {  	s19 =	sld [smem:$0x3FDB];
	_ =	sdelay $0x1  }
0x9b: {  	s6 =	simm.s32 $_scs_section_size  }
0x9c: {  	s7 =	simm.s32 $_size__tile_overlayer_lowered;
	s8 =	simm.s32 $_tile_overlayer_lowered  }
0x9d: {  	s22 =	simm.s32 $0x1BFF;
	s21 =	sshll.u32 s8, $0x1;
	s5 =	sadd.s32 s6, s19  }
0x9e: {  	s9 =	simm.s32 $0x0;
	s20 =	sshll.u32 s7, $0x1;
	s7 =	sadd.s32 s21, s5  }
0x9f: {  	[timem:s9], [sflag:s22] =	dma.local [hbm:s7], s20  }
0xa0: {  	_ =	swait.ge [sflag:s22], s20  }
0xa1: {  	s6 =	ssub.s32 $0x0, s20;
	[sflag:s22] =	ssyncset.done $0x0  }
0xa2: {  	[sflag:s22] =	ssyncadd.s32 s6;
	_ =	sdelay $0x1  }
0xa3: {  	s23 =	simm.s32 $0x1B8B  }
0xa4: {  	_ =	swait.ge [sflag:s23], $0x1  }
0xa5: {  	[sflag:s23] =	ssyncset.done $0x0  }
0xa6: {  	s25 =	simm.s32 $0x1B8E;
	s24 =	sld [smem:$0x3FFE];
	[sflag:s23] =	ssyncadd.s32 $0xFFFFFFFF  }
0xa7: {  	s26 =	simm.s32 $execute0_lowered;
	[smem:$0x3FD2] =	sst s25  }
0xa8: {  	s7 =	sshll.u32 s26, $0x1;
	_ =	strace $0x80000046;
	[dreg:$0x1] =	wrdreg $0xFFFFFFFF  }
0xa9: {  	s28 =	simm.s32 $_size_execute0_lowered;
	s5 =	sadd.s32 s5, s7;
	[dreg:$0x0] =	wrdreg $0x0  }
0xaa: {  	s7 =	sshll.u32 s28, $0x1;
	[dreg:$0x2] =	wrdreg s5  }
0xab: {  	[dreg:$0x3] =	wrdreg s7  }
0xac: {  	[dreg:$0x4] =	wrdreg $0xC0  }
0xad: {  	_ =	task [dreg:s9], $0x5FFFF  }
0xae: {  	[dreg:$0x1] =	wrdreg $0xFFFFFFFF  }
0xaf: {  	[dreg:$0x0] =	wrdreg $0x60  }
0xb0: {  	[dreg:$0x2] =	wrdreg s2  }
0xb1: {  	[dreg:$0x3] =	wrdreg s24  }
0xb2: {  	[dreg:$0x4] =	wrdreg s4  }
0xb3: {  	[dreg:$0x5] =	wrdreg s18  }
0xb4: {  	[dreg:$0x6] =	wrdreg $0x8E000  }
0xb5: {  	[dreg:$0x7] =	wrdreg $0x9  }
0xb6: {  	_ =	task.clear_ibuf [dreg:s9], $0x8FFFF;
	_ =	strace $0x90000046  }
0xb7: {  	s29 =	simm.s32 $0x9;
	_ =	strace $0x80000048  }
0xb8: {  	_ =	swait.ge [sflag:s29], $0x1  }
0xb9: {  	[sflag:s29] =	ssyncadd.s32 $0xFFFFFFFF  }
0xba: {  	_ =	strace $0x90000048  }
0xbb: {  	_ =	sfence  }
0xbc: {  	s30 =	sld [smem:$0x0];
	_ =	sdelay $0x2  }
0xbd: {  	s31 =	sshll.u32 s1, $0xD;
	s1 =	sshrl.u32 s1, $0x2  }
0xbe: {  	s3 =	sand.u32 $0x4000, s31;
	s1 =	sadd.s32 s1, s30  }
0xbf: {  	s0 =	sor.u32 s3, s0;
	s1 =	sshll.u32 s1, $0x11  }
0xc0: {  	s0 =	sor.u32 s1, s0  }
0xc1: {  	s0 =	sadd.s32 $0x8F2B, s0  }
0xc2: {  	[sflag:s0] =	ssyncadd.remote.s32 $0x1  }
0xc3: {  	_ =	sfence.sel $0xFFFF  }
0xc4: {  	[dreg:$0x0] =	wrdreg $0xFFFFFFFF;
	(pc) =	sbr.abs _section_cstart, $3  }
0xc5: {  	[dreg:$0x1] =	wrdreg $0xFFFFFFFF  }
0xc6: {  	_ =	task.clear_ibuf [dreg:s9], $0x2FFFF;
	_ =	strace $0x9FFFFFFF  }
0xc7: {  	(tm) =	ssettm $0x7FFFFFFF  }
tec
execute0_lowered:
.L_overlay_start_1:
0x0: {  	(tag) =	ssettag $0x1  }
0x1: {  	s1 =	rddreg [dreg:$0x0]  }
0x2: {  	s0 =	rddreg [dreg:$0x1]  }
0x3: {  	s3 =	rddreg [dreg:$0x3]  }
0x4: {  	s4 =	rddreg [dreg:$0x4];
	s2 =	srdreg.scid  }
0x5: {  	s6 =	simm.s32 $0x0;
	s13 =	stileid.u32;
	s29 =	simm.s32 $0x180  }
0x6: {  	s30 =	simm.s32 $0x3;
	s31 =	simm.s32 $0x300;
	s15 =	simm.s32 $0x5  }
0x7: {  	s16 =	simm.s32 $0x0;
	s2 =	sand.u32 $0x1, s2;
	s8 =	smul.u32 $0x13C00, s13  }
0x8: {  	[smem:$0x7FF] =	sst s6;
	s10 =	sshll.u32 s13, $0x7;
	s5 =	smul.u32 $0x13C000, s2  }
0x9: {  	s7 =	sshll.u32 s2, $0x4;
	_ =	strace $0x80000047;
	s12 =	sand.u32 $0x380, s10  }
0xa: {  	s2 =	ssub.s32 $0x2, s2;
	s10 =	sor.u32 $0xC00, s10;
	s9 =	sor.u32 s13, s7  }
0xb: {  	s7 =	sadd.s32 $0x2600, s0;
	s13 =	smul.u32 $0x4F000, s13;
	s14 =	sshrl.u32 s2, $0x1  }
0xc: {  	s9 =	sshrl.u32 s9, $0x3;
	s5 =	sadd.s32 s8, s5;
	s8 =	sadd.s32 $0xC400, s0  }
0xd: {  	s2 =	ssub.s32 s2, s14;
	s14 =	simm.s32 $0x8300;
	s11 =	smul.u32 $0xC00, s9  }
0xe: {  	s5 =	sshrl.u32 s5, $0x3;
	s9 =	smul.u32 $0x13C00, s9;
	s2 =	smax.u32 s2, $0x1  }
0xf: {  	s19 =	sshrl.u32 s13, $0x2;
	s5 =	sadd.s32 s5, s0;
	[dreg:$0x10] =	wrdreg s2  }
0x10: {  	s2 =	simm.s32 $0x4300;
	s11 =	sor.u32 s12, s11;
	s12 =	sor.u32 s12, s9  }
0x11: {  	s28 =	sadd.s32 s9, s10;
	s5 =	sadd.s32 $0x16E00, s5;
	s9 =	simm.s32 $0x1  }
0x12: {  	s10 =	simm.s32 $0x2;
	s11 =	sshrl.u32 s11, $0x3;
	s20 =	sshrl.u32 s12, $0x3  }
0x13: {  	s21 =	sadd.s32 $0x400, s12;
	s23 =	sadd.s32 $0x13800, s12;
	[dreg:$0xf] =	wrdreg s5  }
0x14: {  	s5 =	simm.s32 $0x100;
	s0 =	sadd.s32 s11, s0;
	s22 =	sadd.s32 s7, s20  }
0x15: {  	s13 =	sshrl.u32 s21, $0x3;
	s11 =	sadd.s32 $0x16200, s0;
	[dreg:$0x8] =	wrdreg s22  }
0x16: {  	s25 =	sshrl.u32 s23, $0x3;
	s24 =	sadd.s32 s7, s13;
	[dreg:$0x6] =	wrdreg s11  }
0x17: {  	s23 =	simm.s32 $0x80;
	s13 =	sadd.s32 s8, s13;
	[dreg:$0xa] =	wrdreg s24  }
0x18: {  	s26 =	sadd.s32 s7, s25;
	s0 =	sadd.s32 $0x16800, s0;
	[dreg:$0xb] =	wrdreg s13  }
0x19: {  	s22 =	simm.s32 $0x8C80;
	s11 =	sadd.s32 s19, s4;
	[dreg:$0xc] =	wrdreg s26  }
0x1a: {  	[dreg:$0xe] =	wrdreg s0;
	s0 =	sshrl.u32 s28, $0x3;
	s24 =	sadd.s32 $0x800, s12  }
0x1b: {  	s19 =	simm.s32 $0x400;
	s26 =	simm.s32 $0x6;
	s12 =	simm.s32 $0x280  }
0x1c: {  	s13 =	simm.s32 $0x10;
	[dreg:$0x7] =	wrdreg s11;
	s11 =	sadd.s32 s8, s20  }
0x1d: {  	s20 =	sadd.s32 s0, s8;
	[dreg:$0x9] =	wrdreg s11;
	s11 =	sadd.s32 s8, s25  }
0x1e: {  	s21 =	sadd.s32 s0, s7;
	s0 =	simm.s32 $0x4;
	[dreg:$0xd] =	wrdreg s11  }
.LBB2_1:
0x1f: {  	s11 =	rddreg [dreg:$0x6];
	s17 =	simm.s32 $0x8B00  }
0x20: {  	[tilespmem:s17], [sflag:$0x6] =	stream.strided.gather [hbm4b:s11+s23], $0x180, s19, s23, $0x38;
	[tilespmem:$0x1CA00] =	vst v63  }
0x21: {  	_ =	swait.ge [sflag:s26], $0x180  }
0x22: {  	[sflag:s26] =	ssyncset.done $0x0  }
0x23: {  	[sflag:s26] =	ssyncadd.s32 $0xFFFFFE80  }
0x24: {  	[tilespmem:s22], [sflag:$0x5] =	stream.indirect.gather [hbm4b:s3+s23], $0x1, s17, s23, $0xb8;
	[tilespmem:$0x1CA00] =	vst v63  }
0x25: {  	s19 =	simm.s32 $0x8B80;
	s22 =	simm.s32 $0x8D00  }
0x26: {  	[tilespmem:s22], [sflag:$0x5] =	stream.indirect.gather [hbm4b:s3+s23], $0x1, s19, s23, $0xb8;
	[tilespmem:$0x1CA00] =	vst v63  }
0x27: {  	s25 =	simm.s32 $0x40;
	s28 =	simm.s32 $0x8C00;
	s18 =	simm.s32 $0x8D80  }
0x28: {  	[tilespmem:s18], [sflag:$0x5] =	stream.indirect.gather [hbm4b:s3+s25], $0x1, s28, s25, $0xb8;
	[tilespmem:$0x1CA00] =	vst v63  }
0x29: {  	s18 =	stileid.u32  }
0x2a: {  	s22 =	rddreg [dreg:$0x7];
	s19 =	sshll.u32 s18, $0x6  }
0x2b: {  	s25 =	rddreg [dreg:$0x2];
	s18 =	sshrl.u32 s22, $0x3;
	s17 =	sor.u32 $0x1C06, s19  }
0x2c: {  	[spmem:s18], [sflag:s17] =	dma.local [hbm:s25], $0x2780  }
0x2d: {  	_ =	swait.ge [sflag:s26], $0x2780  }
0x2e: {  	[sflag:s26] =	ssyncset.done $0x0  }
0x2f: {  	[sflag:s26] =	ssyncadd.s32 $0xFFFFD880  }
0x30: {  	[bflag:$0x0] =	sbarrier.arrive $0xFFFF  }
0x31: {  	s28 =	rddreg [dreg:$0x8]  }
0x32: {  	[tilespmem:s6], [sflag:$0x3] =	stream.linear.gather [hbm4b:s28+s6], $0x80, $0x38;
	[tilespmem:$0x1CA00] =	vst v63  }
0x33: {  	s19 =	rddreg [dreg:$0x9]  }
0x34: {  	[tilespmem:s23], [sflag:$0x3] =	stream.linear.gather [hbm4b:s19+s6], $0x80, $0x38;
	[tilespmem:$0x1CA00] =	vst v63  }
0x35: {  	s22 =	rddreg [dreg:$0xa]  }
0x36: {  	[tilespmem:s5], [sflag:$0x4] =	stream.linear.gather [hbm4b:s22+s6], $0x80, $0x38;
	[tilespmem:$0x1CA00] =	vst v63  }
0x37: {  	s25 =	rddreg [dreg:$0xb]  }
0x38: {  	[tilespmem:s29], [sflag:$0x4] =	stream.linear.gather [hbm4b:s25+s6], $0x80, $0x38;
	[tilespmem:$0x1CA00] =	vst v63  }
0x39: {  	_ =	swait.ge [sflag:s30], $0x80  }
0x3a: {  	[sflag:s30] =	ssyncset.done $0x0  }
0x3b: {  	[sflag:s30] =	ssyncadd.s32 $0xFFFFFF80  }
0x3c: {  	_ =	swait.ge [sflag:s30], $0x80  }
0x3d: {  	[sflag:s30] =	ssyncset.done $0x0  }
0x3e: {  	[sflag:s30] =	ssyncadd.s32 $0xFFFFFF80  }
0x3f: {  	[tilespmem:s31], [sflag:$0x1] =	stream.indirect.gather [hbm4b:s1+s23], $0x80, s6, s23, $0xb8;
	[tilespmem:$0x1CA00] =	vst v63  }
0x40: {  	_ =	swait.ge [sflag:s0], $0x80  }
0x41: {  	[sflag:s0] =	ssyncset.done $0x0  }
0x42: {  	[sflag:s0] =	ssyncadd.s32 $0xFFFFFF80  }
0x43: {  	_ =	swait.ge [sflag:s0], $0x80  }
0x44: {  	[sflag:s0] =	ssyncset.done $0x0  }
0x45: {  	[sflag:s0] =	ssyncadd.s32 $0xFFFFFF80  }
0x46: {  	[tilespmem:s2], [sflag:$0x2] =	stream.indirect.gather [hbm4b:s1+s23], $0x80, s5, s23, $0xb8;
	[tilespmem:$0x1CA00] =	vst v63  }
0x47: {  	_ =	swait.ge [sflag:s9], $0x4000  }
0x48: {  	[sflag:s9] =	ssyncset.done $0x0  }
0x49: {  	[sflag:s9] =	ssyncadd.s32 $0xFFFFC000  }
0x4a: {  	[spmem:s4] =	stream.indirect.scatter.add.f32 [tilespmem:s31], [sflag:$0x6], $0x80, s23, s23, $0xb8;
	[tilespmem:$0x1CA00] =	vst v63  }
0x4b: {  	_ =	swait.ge [sflag:s26], $0x4000  }
0x4c: {  	s28 =	sshrl.u32 s24, $0x3;
	[sflag:s26] =	ssyncset.done $0x0  }
0x4d: {  	s11 =	sadd.s32 s7, s28;
	[sflag:s26] =	ssyncadd.s32 $0xFFFFC000  }
0x4e: {  	[tilespmem:s6], [sflag:$0x3] =	stream.linear.gather [hbm4b:s11+s6], $0x80, $0x38;
	[tilespmem:$0x1CA00] =	vst v63  }
0x4f: {  	s19 =	sadd.s32 s8, s28  }
0x50: {  	[tilespmem:s23], [sflag:$0x3] =	stream.linear.gather [hbm4b:s19+s6], $0x80, $0x38;
	[tilespmem:$0x1CA00] =	vst v63  }
0x51: {  	_ =	swait.ge [sflag:s30], $0x80  }
0x52: {  	[sflag:s30] =	ssyncset.done $0x0  }
0x53: {  	[sflag:s30] =	ssyncadd.s32 $0xFFFFFF80  }
0x54: {  	_ =	swait.ge [sflag:s30], $0x80  }
0x55: {  	[sflag:s30] =	ssyncset.done $0x0  }
0x56: {  	[sflag:s30] =	ssyncadd.s32 $0xFFFFFF80  }
0x57: {  	[tilespmem:s31], [sflag:$0x1] =	stream.indirect.gather [hbm4b:s1+s23], $0x80, s6, s23, $0xb8;
	[tilespmem:$0x1CA00] =	vst v63  }
0x58: {  	_ =	swait.ge [sflag:s10], $0x4000  }
0x59: {  	[sflag:s10] =	ssyncset.done $0x0  }
0x5a: {  	[sflag:s10] =	ssyncadd.s32 $0xFFFFC000  }
0x5b: {  	[spmem:s4] =	stream.indirect.scatter.add.f32 [tilespmem:s2], [sflag:$0x6], $0x80, s29, s23, $0xb8;
	[tilespmem:$0x1CA00] =	vst v63  }
0x5c: {  	_ =	swait.ge [sflag:s26], $0x4000  }
0x5d: {  	[sflag:s26] =	ssyncset.done $0x0  }
0x5e: {  	s25 =	sadd.s32 $0x0, s21;
	[sflag:s26] =	ssyncadd.s32 $0xFFFFC000  }
0x5f: {  	[tilespmem:s5], [sflag:$0x4] =	stream.linear.gather [hbm4b:s25+s6], $0x80, $0x38;
	[tilespmem:$0x1CA00] =	vst v63  }
0x60: {  	s28 =	sadd.s32 $0x0, s20  }
0x61: {  	[tilespmem:s29], [sflag:$0x4] =	stream.linear.gather [hbm4b:s28+s6], $0x80, $0x38;
	[tilespmem:$0x1CA00] =	vst v63  }
0x62: {  	_ =	swait.ge [sflag:s0], $0x80  }
0x63: {  	[sflag:s0] =	ssyncset.done $0x0  }
0x64: {  	[sflag:s0] =	ssyncadd.s32 $0xFFFFFF80  }
0x65: {  	_ =	swait.ge [sflag:s0], $0x80  }
0x66: {  	s22 =	smov.u32 s24;
	s19 =	simm.s32 $0x100;
	[sflag:s0] =	ssyncset.done $0x0  }
.LBB2_2:
0x67: {  	p0 =	sne.s32 s19, $0x2500;
	[sflag:s0] =	ssyncadd.s32 $0xFFFFFF80;
	s22 =	sadd.s32 $0x800, s22  }
0x68: {  	[tilespmem:s2], [sflag:$0x2] =	stream.indirect.gather [hbm4b:s1+s23], $0x80, s5, s23, $0xb8;
	[tilespmem:$0x1CA00] =	vst v63  }
0x69: {  	s25 =	smov.u32 s19;
	s19 =	sadd.s32 $0x100, s19;
	_ =	swait.ge [sflag:s9], $0x4000  }
0x6a: {  	[sflag:s9] =	ssyncset.done $0x0  }
0x6b: {  	[sflag:s9] =	ssyncadd.s32 $0xFFFFC000  }
0x6c: {  	[spmem:s4] =	stream.indirect.scatter.add.f32 [tilespmem:s31], [sflag:$0x6], $0x80, s23, s23, $0xb8;
	[tilespmem:$0x1CA00] =	vst v63  }
0x6d: {  	_ =	swait.ge [sflag:s26], $0x4000  }
0x6e: {  	s28 =	sshrl.u32 s22, $0x3;
	[sflag:s26] =	ssyncset.done $0x0  }
0x6f: {  	s11 =	sadd.s32 s7, s28;
	[sflag:s26] =	ssyncadd.s32 $0xFFFFC000  }
0x70: {  	[tilespmem:s6], [sflag:$0x3] =	stream.linear.gather [hbm4b:s11+s6], $0x80, $0x38;
	[tilespmem:$0x1CA00] =	vst v63  }
0x71: {  	s11 =	sadd.s32 s8, s28  }
0x72: {  	[tilespmem:s23], [sflag:$0x3] =	stream.linear.gather [hbm4b:s11+s6], $0x80, $0x38;
	[tilespmem:$0x1CA00] =	vst v63  }
0x73: {  	_ =	swait.ge [sflag:s30], $0x80  }
0x74: {  	[sflag:s30] =	ssyncset.done $0x0  }
0x75: {  	[sflag:s30] =	ssyncadd.s32 $0xFFFFFF80  }
0x76: {  	_ =	swait.ge [sflag:s30], $0x80  }
0x77: {  	[sflag:s30] =	ssyncset.done $0x0  }
0x78: {  	[sflag:s30] =	ssyncadd.s32 $0xFFFFFF80  }
0x79: {  	[tilespmem:s31], [sflag:$0x1] =	stream.indirect.gather [hbm4b:s1+s23], $0x80, s6, s23, $0xb8;
	[tilespmem:$0x1CA00] =	vst v63  }
0x7a: {  	_ =	swait.ge [sflag:s10], $0x4000  }
0x7b: {  	[sflag:s10] =	ssyncset.done $0x0  }
0x7c: {  	[sflag:s10] =	ssyncadd.s32 $0xFFFFC000  }
0x7d: {  	[spmem:s4] =	stream.indirect.scatter.add.f32 [tilespmem:s2], [sflag:$0x6], $0x80, s29, s23, $0xb8;
	[tilespmem:$0x1CA00] =	vst v63  }
0x7e: {  	_ =	swait.ge [sflag:s26], $0x4000  }
0x7f: {  	[sflag:s26] =	ssyncset.done $0x0  }
0x80: {  	s11 =	sadd.s32 s25, s21;
	[sflag:s26] =	ssyncadd.s32 $0xFFFFC000  }
0x81: {  	[tilespmem:s5], [sflag:$0x4] =	stream.linear.gather [hbm4b:s11+s6], $0x80, $0x38;
	[tilespmem:$0x1CA00] =	vst v63  }
0x82: {  	s11 =	sadd.s32 s25, s20  }
0x83: {  	[tilespmem:s29], [sflag:$0x4] =	stream.linear.gather [hbm4b:s11+s6], $0x80, $0x38;
	[tilespmem:$0x1CA00] =	vst v63  }
.Ltmp0:
0x84: {  	_ =	swait.ge [sflag:s0], $0x80;
	(pc) =	sbr.rel @p0 .LBB2_2-.Ltmp0, $4  }
0x85: {  	[sflag:s0] =	ssyncset.done $0x0  }
0x86: {  	[sflag:s0] =	ssyncadd.s32 $0xFFFFFF80  }
0x87: {  	_ =	swait.ge [sflag:s0], $0x80  }
0x88: {  	[sflag:s0] =	ssyncset.done $0x0  }
0x89: {  	[sflag:s0] =	ssyncadd.s32 $0xFFFFFF80  }
0x8a: {  	[tilespmem:s2], [sflag:$0x2] =	stream.indirect.gather [hbm4b:s1+s23], $0x80, s5, s23, $0xb8;
	[tilespmem:$0x1CA00] =	vst v63  }
0x8b: {  	_ =	swait.ge [sflag:s9], $0x4000  }
0x8c: {  	[sflag:s9] =	ssyncset.done $0x0  }
0x8d: {  	[sflag:s9] =	ssyncadd.s32 $0xFFFFC000  }
0x8e: {  	[spmem:s4] =	stream.indirect.scatter.add.f32 [tilespmem:s31], [sflag:$0x6], $0x80, s23, s23, $0xb8;
	[tilespmem:$0x1CA00] =	vst v63  }
0x8f: {  	_ =	swait.ge [sflag:s26], $0x4000  }
0x90: {  	[sflag:s26] =	ssyncset.done $0x0  }
0x91: {  	[sflag:s26] =	ssyncadd.s32 $0xFFFFC000  }
0x92: {  	_ =	swait.ge [sflag:s10], $0x4000  }
0x93: {  	[sflag:s10] =	ssyncset.done $0x0  }
0x94: {  	[sflag:s10] =	ssyncadd.s32 $0xFFFFC000  }
0x95: {  	[spmem:s4] =	stream.indirect.scatter.add.f32 [tilespmem:s2], [sflag:$0x6], $0x80, s29, s23, $0xb8;
	[tilespmem:$0x1CA00] =	vst v63  }
0x96: {  	_ =	swait.ge [sflag:s26], $0x4000  }
0x97: {  	[sflag:s26] =	ssyncset.done $0x0  }
0x98: {  	s19 =	simm.s32 $0x200;
	s11 =	rddreg [dreg:$0xc];
	[sflag:s26] =	ssyncadd.s32 $0xFFFFC000  }
0x99: {  	[tilespmem:s19], [sflag:$0x6] =	stream.linear.gather [hbm4b:s11+s6], $0x80, $0x38;
	[tilespmem:$0x1CA00] =	vst v63  }
0x9a: {  	_ =	swait.ge [sflag:s26], $0x80  }
0x9b: {  	[sflag:s26] =	ssyncset.done $0x0  }
0x9c: {  	s25 =	rddreg [dreg:$0xd];
	[sflag:s26] =	ssyncadd.s32 $0xFFFFFF80  }
0x9d: {  	[tilespmem:s12], [sflag:$0x6] =	stream.linear.gather [hbm4b:s25+s6], $0x80, $0x38;
	[tilespmem:$0x1CA00] =	vst v63  }
0x9e: {  	_ =	swait.ge [sflag:s26], $0x80  }
0x9f: {  	[sflag:s26] =	ssyncset.done $0x0  }
0xa0: {  	[sflag:s26] =	ssyncadd.s32 $0xFFFFFF80  }
0xa1: {  	[tilespmem:s14], [sflag:$0x1] =	stream.indirect.gather [hbm4b:s1+s13], $0x80, s19, s13, $0xb8;
	[tilespmem:$0x1CA00] =	vst v63  }
0xa2: {  	_ =	swait.ge [sflag:s9], $0x800  }
0xa3: {  	[sflag:s9] =	ssyncset.done $0x0  }
0xa4: {  	[sflag:s9] =	ssyncadd.s32 $0xFFFFF800  }
0xa5: {  	[spmem:s4] =	stream.indirect.scatter.add.f32 [tilespmem:s14], [sflag:$0x6], $0x80, s12, s13, $0xb8;
	[tilespmem:$0x1CA00] =	vst v63  }
0xa6: {  	_ =	swait.ge [sflag:s26], $0x800  }
0xa7: {  	[sflag:s26] =	ssyncset.done $0x0  }
0xa8: {  	[sflag:s26] =	ssyncadd.s32 $0xFFFFF800  }
0xa9: {  	_ =	swait.ge [sflag:s15], $0x80  }
0xaa: {  	[sflag:s15] =	ssyncset.done $0x0  }
0xab: {  	[sflag:s15] =	ssyncadd.s32 $0xFFFFFF80  }
0xac: {  	_ =	swait.ge [sflag:s15], $0x80  }
0xad: {  	[sflag:s15] =	ssyncset.done $0x0  }
0xae: {  	[sflag:s15] =	ssyncadd.s32 $0xFFFFFF80  }
0xaf: {  	_ =	swait.ge [sflag:s15], $0x40  }
0xb0: {  	s22 =	simm.s32 $0x8C80;
	[sflag:s15] =	ssyncset.done $0x0  }
0xb1: {  	s19 =	simm.s32 $0x400;
	s28 =	rddreg [dreg:$0xe];
	[sflag:s15] =	ssyncadd.s32 $0xFFFFFFC0  }
0xb2: {  	[hbm4b:s28+s23] =	stream.strided.scatter [tilespmem:s22], [sflag:$0x6], $0x180, s19, s23, $0x38;
	[tilespmem:$0x1CA00] =	vst v63  }
0xb3: {  	_ =	swait.ge [sflag:s26], $0x180  }
0xb4: {  	[sflag:s26] =	ssyncset.done $0x0  }
0xb5: {  	[sflag:s26] =	ssyncadd.s32 $0xFFFFFE80  }
0xb6: {  	[bflag:$0x0] =	sbarrier.arrive $0xFFFF  }
0xb7: {  	s25 =	rddreg [dreg:$0xf]  }
0xb8: {  	[hbm:s25], [sflag:s17] =	dma.local [spmem:s18], $0x2780  }
0xb9: {  	_ =	swait.ge [sflag:s26], $0x2780  }
0xba: {  	s16 =	sadd.s32 $0x1, s16;
	s28 =	rddreg [dreg:$0x10]  }
0xbb: {  	p0 =	sne.s32 s16, s28  }
.Ltmp1:
0xbc: {  	_ = 	snop;
	(pc) =	sbr.rel @p0 .LBB2_1-.Ltmp1, $3  }
0xbd: {  	_ =	sdelay $0x1  }
0xbe: {  	[sflag:s26] =	ssyncset.done $0x0  }
0xbf: {  	[sflag:s26] =	ssyncadd.s32 $0xFFFFD880  }
0xc0: {  	_ =	sfence.sel $0x180000  }
0xc1: {  	[bflag:$0x0] =	sbarrier.arrive $0xFFFF  }
0xc2: {  	_ =	strace $0x90000047  }
0xc3: {  	s0 =	stileid.u32;
	[bflag:$0x2] =	sbarrier.arrive $0xFFFF  }
0xc4: {  	p0 =	sne.s32 s0, $0x0;
	s0 =	rddreg [dreg:$0x5]  }
0xc5: {  	s0 =	sadd.s32 @!p0 $0x100000, s0  }
0xc6: {  	[sflag:s0] =	ssyncadd.tile.s32 @!p0 $0x1;
	_ =	shalt  }
.Lfunc_end2:
_tile_overlayer_lowered:
.L_overlay_start_2:
0xc7: {  	(tag) =	ssettag $0x2  }
0xc8: {  	s0 =	rddreg [dreg:$0x0];
	s2 =	stileid.u32  }
0xc9: {  	s1 =	rddreg [dreg:$0x1];
	p0 =	sne.s32 s2, $0x0  }
0xca: {  	s3 =	rddreg [dreg:$0x2];
	[bflag:$0x3] =	sbarrier.arrive $0xFFFF;
	s2 =	simm.s32 @!p0 $0x1C06  }
0xcb: {  	[timem:s3], [sflag:s2] =	dma.local @!p0 [hbm:s0], s1  }
0xcc: {  	s0 =	simm.s32 @!p0 $0x6  }
0xcd: {  	_ =	swait.ge @!p0 [sflag:s0], s1  }
0xce: {  	s1 =	ssub.s32 @!p0 $0x0, s1;
	[sflag:s0] =	ssyncset.done @!p0 $0x0  }
0xcf: {  	[sflag:s0] =	ssyncadd.s32 @!p0 s1  }
0xd0: {  	[bflag:$0x3] =	sbarrier.arrive $0xFFFF  }
0xd1: {  	_ =	shalt  }

</sc_bundles>
